<compile_context>
chip_gen: v7x
topology: tpu7x:2x2x1
jax: 0.10.2.dev20260603
libtpu: 0.0.44.dev20260713+nightly
codegen_flags: <defaults>
</compile_context>

<pallas_src>
import functools

import jax
import jax.numpy as jnp
from jax import lax
from jax.experimental import pallas as pl
from jax.experimental.pallas import tpu as pltpu
from jax.experimental.pallas import tpu_sc as plsc

N = 10000
E = 320000
C = 128
H = 64
NC = 2
NS = 16
K = 128
NCH = 160
E_PAD = NS * NCH * K
NROW = E_PAD // K
NCW = NROW // (NC * NS)
NPAD = 64
AR = N + 248
ARD = N + 128
ZRA = 632
ZR = 624
ZR_LAST = N - (NS - 1) * ZR

_mesh = plsc.VectorSubcoreMesh(core_axis_name="c", subcore_axis_name="s")



@functools.partial(
    pl.kernel,
    out_type=jax.ShapeDtypeStruct((NC, 1, ARD), jnp.float32),
    mesh=_mesh,
    scratch_types=[
        pltpu.VMEM((NCW, K), jnp.int32),
        pltpu.VMEM((K,), jnp.float32),
        pltpu.VMEM((ARD,), jnp.float32),
        pltpu.VMEM_SHARED((ARD,), jnp.float32),
        pltpu.SemaphoreType.DMA,
    ],
)
def _deg_kernel(dst3_hbm, deg_out, idx_v, ones_v, zbuf, acc, sem):
    cid = lax.axis_index("c")
    sid = lax.axis_index("s")
    wid = cid * NS + sid

    cp = pltpu.async_copy(dst3_hbm.at[pl.ds(wid * NCW, NCW)], idx_v, sem)

    for j in range(K // 16):
        ones_v[pl.ds(j * 16, 16)] = jnp.ones((16,), jnp.float32)

    @pl.when(sid == 0)
    def _zero():
        def zrow(i, _):
            zbuf[pl.ds(i * 16, 16)] = jnp.zeros((16,), jnp.float32)
            return 0
        lax.fori_loop(0, ARD // 16, zrow, 0)
        pltpu.sync_copy(zbuf, acc)

    cp.wait()
    plsc.subcore_barrier()

    def chunk(i, _):
        pltpu.sync_copy(ones_v, acc.at[idx_v.at[i]], add=True)
        return 0

    lax.fori_loop(0, NCW, chunk, 0)
    plsc.subcore_barrier()

    @pl.when(sid == 0)
    def _out():
        pltpu.sync_copy(acc, deg_out.at[cid, 0])



@functools.partial(
    pl.kernel,
    out_type=jax.ShapeDtypeStruct((NC, N, H), jnp.float32),
    mesh=_mesh,
    scratch_types=[
        pltpu.VMEM((NCH, K), jnp.int32),
        pltpu.VMEM((NCH, K), jnp.int32),
        pltpu.VMEM((K, H), jnp.float32),
        pltpu.VMEM((K, H), jnp.float32),
        pltpu.VMEM((K, H), jnp.float32),
        pltpu.VMEM((K, H), jnp.float32),
        pltpu.VMEM_SHARED((AR, H), jnp.float32),
        pltpu.SemaphoreType.DMA,
        pltpu.SemaphoreType.DMA,
        pltpu.SemaphoreType.DMA,
        pltpu.SemaphoreType.DMA,
        pltpu.SemaphoreType.DMA,
        pltpu.SemaphoreType.DMA,
        pltpu.SemaphoreType.DMA,
        pltpu.SemaphoreType.DMA,
        pltpu.SemaphoreType.DMA,
    ],
    compiler_params=pltpu.CompilerParams(use_tc_tiling_on_sc=False),
)
def _prop_kernel(u_hbm, src3_hbm, dst3_hbm, out_hbm, sidx, didx,
                 r0, r1, r2, r3, acc, semi,
                 g0, g1, g2, g3, s0, s1, s2, s3):
    cid = lax.axis_index("c")
    sid = lax.axis_index("s")
    rows = (r0, r1, r2, r3)
    gsem = (g0, g1, g2, g3)
    ssem = (s0, s1, s2, s3)

    cps = pltpu.async_copy(src3_hbm.at[cid, pl.ds(sid * NCH, NCH)], sidx, semi)
    cpd = pltpu.async_copy(dst3_hbm.at[pl.ds(sid * NCH, NCH)], didx, semi)

    def zrow(i, _):
        for j in range(H // 16):
            r0[i, pl.ds(j * 16, 16)] = jnp.zeros((16,), jnp.float32)
        return 0

    lax.fori_loop(0, K, zrow, 0)
    zb = sid * ZRA
    for t in range(5):
        pltpu.sync_copy(r0, acc.at[pl.ds(zb + t * K, K)])

    @pl.when(sid == NS - 1)
    def _z_tail():
        pltpu.sync_copy(r0, acc.at[pl.ds(zb + 5 * K, K)])
    cps.wait()
    cpd.wait()
    plsc.subcore_barrier()

    for b in range(3):
        pltpu.async_copy(u_hbm.at[sidx.at[b]], rows[b], gsem[b])

    def quad(q, _):
        for t in range(4):
            i = q * 4 + t
            b = t
            bp = (t + 3) % 4
            bn = (t + 3) % 4
            pltpu.make_async_copy(u_hbm.at[sidx.at[i]], rows[b],
                                  gsem[b]).wait()
            pltpu.async_copy(rows[b], acc.at[didx.at[i]], ssem[b], add=True)

            @pl.when(i >= 1)
            def _wait_prev_scatter():
                pltpu.make_async_copy(rows[bp], acc.at[didx.at[i - 1]],
                                      ssem[bp]).wait()

            @pl.when(i + 3 < NCH)
            def _prefetch():
                pltpu.async_copy(u_hbm.at[sidx.at[i + 3]], rows[bn], gsem[bn])
        return 0

    lax.fori_loop(0, NCH // 4, quad, 0)
    pltpu.make_async_copy(r3, acc.at[didx.at[NCH - 1]], ssem[3]).wait()
    plsc.subcore_barrier()

    @pl.when(sid < NS - 1)
    def _out_body():
        pltpu.sync_copy(acc.at[pl.ds(sid * ZR, ZR)],
                        out_hbm.at[cid, pl.ds(sid * ZR, ZR)])

    @pl.when(sid == NS - 1)
    def _out_last():
        pltpu.sync_copy(acc.at[pl.ds((NS - 1) * ZR, ZR_LAST)],
                        out_hbm.at[cid, pl.ds((NS - 1) * ZR, ZR_LAST)])



BR = 1000
NB = N // BR


def _dense1_body(x_ref, w_ref, degs_ref, u_ref):
    dinv = lax.rsqrt(degs_ref[...])
    xw = jnp.dot(x_ref[...], w_ref[0], preferred_element_type=jnp.float32)
    u_ref[...] = xw * dinv


def _dense2_body(s_ref, u_ref, degs_ref, b_ref, u2_ref):
    dinv = lax.rsqrt(degs_ref[...])
    pre = dinv * (s_ref[0] + u_ref[...]) + b_ref[0]
    u2_ref[...] = dinv * jnp.maximum(pre, 0.0)


def _dense3_body(s_ref, ulo_ref, uhi_ref, degs_ref, wmu_ref, bmu_ref,
                 wls_ref, bls_ref, mu_ref, ls_ref):
    dinv = lax.rsqrt(degs_ref[...])
    glo = dinv * (s_ref[0] + ulo_ref[...])
    ghi = dinv * (s_ref[1] + uhi_ref[...])
    mu_ref[...] = (jnp.dot(glo, wmu_ref[0:H], preferred_element_type=jnp.float32)
                   + jnp.dot(ghi, wmu_ref[H:C], preferred_element_type=jnp.float32)
                   + bmu_ref[...])
    ls_ref[...] = (jnp.dot(glo, wls_ref[0:H], preferred_element_type=jnp.float32)
                   + jnp.dot(ghi, wls_ref[H:C], preferred_element_type=jnp.float32)
                   + bls_ref[...])


def kernel(x, edge_index, W1, b1, Wmu, bmu, Wls, bls):
    ei = edge_index.astype(jnp.int32)
    src, dst = ei[0], ei[1]

    pad = jnp.arange(E_PAD - E, dtype=jnp.int32) % NPAD
    src_p = jnp.concatenate([src, pad])
    dst_p = jnp.concatenate([dst, N + pad])
    dst3 = dst_p.reshape(NROW, K)
    src3 = jnp.stack([src_p, src_p + N]).reshape(NC, NROW, K)

    deg2 = _deg_kernel(dst3)
    degs = (deg2[0, 0, :N] + deg2[1, 0, :N] + 1.0).reshape(N, 1)

    u1 = pl.pallas_call(
        _dense1_body,
        grid=(NC, NB),
        in_specs=[
            pl.BlockSpec((BR, C), lambda c, i: (i, 0)),
            pl.BlockSpec((1, C, H), lambda c, i: (c, 0, 0)),
            pl.BlockSpec((BR, 1), lambda c, i: (i, 0)),
        ],
        out_specs=pl.BlockSpec((BR, H), lambda c, i: (c * NB + i, 0)),
        out_shape=jax.ShapeDtypeStruct((NC * N, H), jnp.float32),
    )(x, W1.reshape(C, NC, H).transpose(1, 0, 2), degs)

    s1 = _prop_kernel(u1, src3, dst3)

    u2 = pl.pallas_call(
        _dense2_body,
        grid=(NC, NB),
        in_specs=[
            pl.BlockSpec((1, BR, H), lambda c, i: (c, i, 0)),
            pl.BlockSpec((BR, H), lambda c, i: (c * NB + i, 0)),
            pl.BlockSpec((BR, 1), lambda c, i: (i, 0)),
            pl.BlockSpec((1, 1, H), lambda c, i: (c, 0, 0)),
        ],
        out_specs=pl.BlockSpec((BR, H), lambda c, i: (c * NB + i, 0)),
        out_shape=jax.ShapeDtypeStruct((NC * N, H), jnp.float32),
    )(s1, u1, degs, b1.reshape(NC, 1, H))

    s2 = _prop_kernel(u2, src3, dst3)

    OC = Wmu.shape[1]
    mu, ls = pl.pallas_call(
        _dense3_body,
        grid=(NB,),
        in_specs=[
            pl.BlockSpec((2, BR, H), lambda i: (0, i, 0)),
            pl.BlockSpec((BR, H), lambda i: (i, 0)),
            pl.BlockSpec((BR, H), lambda i: (NB + i, 0)),
            pl.BlockSpec((BR, 1), lambda i: (i, 0)),
            pl.BlockSpec((C, OC), lambda i: (0, 0)),
            pl.BlockSpec((1, OC), lambda i: (0, 0)),
            pl.BlockSpec((C, OC), lambda i: (0, 0)),
            pl.BlockSpec((1, OC), lambda i: (0, 0)),
        ],
        out_specs=[pl.BlockSpec((BR, OC), lambda i: (i, 0)),
                   pl.BlockSpec((BR, OC), lambda i: (i, 0))],
        out_shape=[jax.ShapeDtypeStruct((N, OC), jnp.float32),
                   jax.ShapeDtypeStruct((N, OC), jnp.float32)],
    )(s2, u2, u2, degs, Wmu, bmu.reshape(1, OC), Wls, bls.reshape(1, OC))

    return (mu, ls)

# --- scband reference (transcript-rebuilt; emitter-appended) ---
"""Pipeline reference for scband-gcnencoder-85126251807435 (READ-ONLY COPY).

The authoritative reference and input builder live on the scoring server;
editing this copy changes nothing except your own understanding.
"""

import jax, jax.numpy as jnp
import numpy as np

N_NODES = 10000
N_EDGES = 320000
IN_C = 128
HID_C = 128
OUT_C = 64


def gcn_conv(x, src, dst, W, b, num_nodes):
    # PyG GCNConv: add self-loops, symmetric normalization D^-1/2 A D^-1/2, then linear
    loop = jnp.arange(num_nodes, dtype=src.dtype)
    s = jnp.concatenate([src, loop])
    d = jnp.concatenate([dst, loop])
    xW = x @ W
    deg = jnp.zeros((num_nodes,), dtype=x.dtype).at[d].add(1.0)
    dinv = jnp.where(deg > 0, deg ** -0.5, 0.0)
    norm = dinv[s] * dinv[d]
    msg = xW[s] * norm[:, None]
    out = jnp.zeros((num_nodes, W.shape[1]), dtype=x.dtype).at[d].add(msg)
    return out + b


def setup_inputs(seed: int = 0) -> dict:
    key = jax.random.key(seed)
    k_x, k_e, k1, k2, k3 = jax.random.split(key, 5)
    x = jax.random.normal(k_x, (N_NODES, IN_C), dtype=jnp.float32)
    edge_index = jax.random.randint(k_e, (2, N_EDGES), 0, N_NODES, dtype=jnp.int64)
    def glorot(k, fan_in, fan_out):
        scale = jnp.sqrt(6.0 / (fan_in + fan_out))
        return jax.random.uniform(k, (fan_in, fan_out), dtype=jnp.float32, minval=-scale, maxval=scale)
    W1 = glorot(k1, IN_C, HID_C)
    b1 = jnp.zeros((HID_C,), dtype=jnp.float32)
    Wmu = glorot(k2, HID_C, OUT_C)
    bmu = jnp.zeros((OUT_C,), dtype=jnp.float32)
    Wls = glorot(k3, HID_C, OUT_C)
    bls = jnp.zeros((OUT_C,), dtype=jnp.float32)
    return {"x": x, "edge_index": edge_index, "W1": W1, "b1": b1, "Wmu": Wmu, "bmu": bmu, "Wls": Wls, "bls": bls}


def reference(x, edge_index, W1, b1, Wmu, bmu, Wls, bls):
    num_nodes = x.shape[0]
    src, dst = edge_index[0], edge_index[1]
    h = gcn_conv(x, src, dst, W1, b1, num_nodes)
    h = jax.nn.relu(h)
    mu = gcn_conv(h, src, dst, Wmu, bmu, num_nodes)
    logstd = gcn_conv(h, src, dst, Wls, bls, num_nodes)
    return (mu, logstd)

if __name__ == "__main__":
    import jax
    _d = setup_inputs()
    print(jax.jit(kernel)(*tuple(_d.values())))

</pallas_src>

<mosaic_0001>
#map = affine_map<(d0, d1) -> (0, 0)>
#map1 = affine_map<(d0, d1) -> (0, 0, 0)>
module attributes {stable_mosaic.version = 14 : i64} {
  func.func @_prop_kernel(%arg0: i32, %arg1: i32, %arg2: memref<20000x64xf32, #tpu.memory_space<hbm>>, %arg3: memref<2x2560x128xi32, #tpu.memory_space<hbm>>, %arg4: memref<2560x128xi32, #tpu.memory_space<hbm>>, %arg5: memref<2x10000x64xf32, #tpu.memory_space<hbm>>, %arg6: memref<160x128xi32, #tpu.memory_space<vmem>>, %arg7: memref<160x128xi32, #tpu.memory_space<vmem>>, %arg8: memref<128x64xf32, #tpu.memory_space<vmem>>, %arg9: memref<128x64xf32, #tpu.memory_space<vmem>>, %arg10: memref<128x64xf32, #tpu.memory_space<vmem>>, %arg11: memref<128x64xf32, #tpu.memory_space<vmem>>, %arg12: memref<10248x64xf32, #tpu.memory_space<vmem_shared>>, %arg13: memref<!tpu.dma_semaphore, #tpu.memory_space<semaphore_mem>>, %arg14: memref<!tpu.dma_semaphore, #tpu.memory_space<semaphore_mem>>, %arg15: memref<!tpu.dma_semaphore, #tpu.memory_space<semaphore_mem>>, %arg16: memref<!tpu.dma_semaphore, #tpu.memory_space<semaphore_mem>>, %arg17: memref<!tpu.dma_semaphore, #tpu.memory_space<semaphore_mem>>, %arg18: memref<!tpu.dma_semaphore, #tpu.memory_space<semaphore_mem>>, %arg19: memref<!tpu.dma_semaphore, #tpu.memory_space<semaphore_mem>>, %arg20: memref<!tpu.dma_semaphore, #tpu.memory_space<semaphore_mem>>, %arg21: memref<!tpu.dma_semaphore, #tpu.memory_space<semaphore_mem>>) attributes {dimension_semantics = [#tpu.dimension_semantics<core_parallel>, #tpu.dimension_semantics<subcore_parallel>], iteration_bounds = array<i64: 2, 16>, scalar_prefetch = 0 : i64, scratch_operands = 16 : i64, tpu.core_type = #tpu.core_type<sc_vector_subcore>, window_params = [{transform_indices = #map}, {transform_indices = #map1}, {transform_indices = #map}, {transform_indices = #map1}]} {
    %mul3A = arith.constant 160 : i32
    %mul3A_0 = arith.muli %arg1, %mul3A : i32
    %dma_start3A = arith.constant 0 : i32
    %dma_start3A_1 = tpu.memref_slice %arg3[%arg0, %mul3A_0, %dma_start3A] : memref<2x2560x128xi32, #tpu.memory_space<hbm>> -> memref<1x160x128xi32, #tpu.memory_space<hbm>>
    %dma_start3A_2 = tpu.memref_squeeze %dma_start3A_1 : memref<1x160x128xi32, #tpu.memory_space<hbm>> -> memref<160x128xi32, #tpu.memory_space<hbm>>
    %dma_start3A_3 = arith.constant 0 : i32
    %dma_start3A_4 = tpu.memref_slice %arg3[%arg0, %mul3A_0, %dma_start3A_3] : memref<2x2560x128xi32, #tpu.memory_space<hbm>> -> memref<1x160x128xi32, #tpu.memory_space<hbm>>
    %dma_start3A_5 = tpu.memref_squeeze %dma_start3A_4 : memref<1x160x128xi32, #tpu.memory_space<hbm>> -> memref<160x128xi32, #tpu.memory_space<hbm>>
    tpu.enqueue_dma source(%dma_start3A_5 : memref<160x128xi32, #tpu.memory_space<hbm>>) target(%arg6 : memref<160x128xi32, #tpu.memory_space<vmem>>) target_semaphore(%arg13 : memref<!tpu.dma_semaphore, #tpu.memory_space<semaphore_mem>>)
    %mul3A_6 = arith.constant 160 : i32
    %mul3A_7 = arith.muli %arg1, %mul3A_6 : i32
    %dma_start3A_8 = arith.constant 0 : i32
    %dma_start3A_9 = tpu.memref_slice %arg4[%mul3A_7, %dma_start3A_8] : memref<2560x128xi32, #tpu.memory_space<hbm>> -> memref<160x128xi32, #tpu.memory_space<hbm>>
    %dma_start3A_10 = arith.constant 0 : i32
    %dma_start3A_11 = tpu.memref_slice %arg4[%mul3A_7, %dma_start3A_10] : memref<2560x128xi32, #tpu.memory_space<hbm>> -> memref<160x128xi32, #tpu.memory_space<hbm>>
    tpu.enqueue_dma source(%dma_start3A_11 : memref<160x128xi32, #tpu.memory_space<hbm>>) target(%arg7 : memref<160x128xi32, #tpu.memory_space<vmem>>) target_semaphore(%arg13 : memref<!tpu.dma_semaphore, #tpu.memory_space<semaphore_mem>>)
    %scan3A = arith.constant 0 : i32
    %scan3A_12 = arith.constant 0 : i32
    %scan3A_13 = arith.constant 128 : i32
    %scan3A_14 = arith.addi %scan3A_12, %scan3A_13 : i32
    %scan3A_15 = arith.constant 1 : i32
    %scan3A_16 = scf.for %scan3A_85 = %scan3A_12 to %scan3A_14 step %scan3A_15 iter_args(%scan3A_86 = %scan3A) -> (i32)  : i32 {
      %broadcast_in_dim3A = arith.constant 0.000000e+00 : f32
      %broadcast_in_dim3A_87 = vector.broadcast %broadcast_in_dim3A : f32 to vector<16xf32>
      %swap3A = arith.index_cast %scan3A_85 : i32 to index
      %swap3A_88 = arith.constant 0 : index
      %swap3A_89 = tpu.vector_load %arg8[%swap3A, %swap3A_88] {strides = array<i32>} : memref<128x64xf32, #tpu.memory_space<vmem>>, vector<1x16xf32>,
      %swap3A_90 = vector.shape_cast %swap3A_89 : vector<1x16xf32> to vector<16xf32>
      %swap3A_91 = vector.shape_cast %broadcast_in_dim3A_87 : vector<16xf32> to vector<1x16xf32>
      tpu.vector_store %arg8[%swap3A, %swap3A_88], %swap3A_91 {strides = array<i32>} : memref<128x64xf32, #tpu.memory_space<vmem>>, vector<1x16xf32>,
      %broadcast_in_dim3A_92 = arith.constant 0.000000e+00 : f32
      %broadcast_in_dim3A_93 = vector.broadcast %broadcast_in_dim3A_92 : f32 to vector<16xf32>
      %swap3A_94 = arith.index_cast %scan3A_85 : i32 to index
      %swap3A_95 = arith.constant 16 : index
      %swap3A_96 = tpu.vector_load %arg8[%swap3A_94, %swap3A_95] {strides = array<i32>} : memref<128x64xf32, #tpu.memory_space<vmem>>, vector<1x16xf32>,
      %swap3A_97 = vector.shape_cast %swap3A_96 : vector<1x16xf32> to vector<16xf32>
      %swap3A_98 = vector.shape_cast %broadcast_in_dim3A_93 : vector<16xf32> to vector<1x16xf32>
      tpu.vector_store %arg8[%swap3A_94, %swap3A_95], %swap3A_98 {strides = array<i32>} : memref<128x64xf32, #tpu.memory_space<vmem>>, vector<1x16xf32>,
      %broadcast_in_dim3A_99 = arith.constant 0.000000e+00 : f32
      %broadcast_in_dim3A_100 = vector.broadcast %broadcast_in_dim3A_99 : f32 to vector<16xf32>
      %swap3A_101 = arith.index_cast %scan3A_85 : i32 to index
      %swap3A_102 = arith.constant 32 : index
      %swap3A_103 = tpu.vector_load %arg8[%swap3A_101, %swap3A_102] {strides = array<i32>} : memref<128x64xf32, #tpu.memory_space<vmem>>, vector<1x16xf32>,
      %swap3A_104 = vector.shape_cast %swap3A_103 : vector<1x16xf32> to vector<16xf32>
      %swap3A_105 = vector.shape_cast %broadcast_in_dim3A_100 : vector<16xf32> to vector<1x16xf32>
      tpu.vector_store %arg8[%swap3A_101, %swap3A_102], %swap3A_105 {strides = array<i32>} : memref<128x64xf32, #tpu.memory_space<vmem>>, vector<1x16xf32>,
      %broadcast_in_dim3A_106 = arith.constant 0.000000e+00 : f32
      %broadcast_in_dim3A_107 = vector.broadcast %broadcast_in_dim3A_106 : f32 to vector<16xf32>
      %swap3A_108 = arith.index_cast %scan3A_85 : i32 to index
      %swap3A_109 = arith.constant 48 : index
      %swap3A_110 = tpu.vector_load %arg8[%swap3A_108, %swap3A_109] {strides = array<i32>} : memref<128x64xf32, #tpu.memory_space<vmem>>, vector<1x16xf32>,
      %swap3A_111 = vector.shape_cast %swap3A_110 : vector<1x16xf32> to vector<16xf32>
      %swap3A_112 = vector.shape_cast %broadcast_in_dim3A_107 : vector<16xf32> to vector<1x16xf32>
      tpu.vector_store %arg8[%swap3A_108, %swap3A_109], %swap3A_112 {strides = array<i32>} : memref<128x64xf32, #tpu.memory_space<vmem>>, vector<1x16xf32>,
      %scan3A_113 = arith.constant 0 : i32
      scf.yield %scan3A_113 : i32
    }
    %scan3A_17 = arith.constant 128 : i32
    %mul3A_18 = arith.constant 632 : i32
    %mul3A_19 = arith.muli %arg1, %mul3A_18 : i32
    %add3A = arith.constant 0 : i32
    %add3A_20 = arith.addi %mul3A_19, %add3A : i32
    "tpu.region"() ({
      %run_scoped3A = tpu.sem_alloc : memref<!tpu.dma_semaphore, #tpu.memory_space<semaphore_mem>>
      %dma_start3A_85 = arith.constant 0 : i32
      %dma_start3A_86 = tpu.memref_slice %arg12[%add3A_20, %dma_start3A_85] : memref<10248x64xf32, #tpu.memory_space<vmem_shared>> -> memref<128x64xf32, #tpu.memory_space<vmem_shared>>
      %dma_start3A_87 = arith.constant 0 : i32
      %dma_start3A_88 = tpu.memref_slice %arg12[%add3A_20, %dma_start3A_87] : memref<10248x64xf32, #tpu.memory_space<vmem_shared>> -> memref<128x64xf32, #tpu.memory_space<vmem_shared>>
      tpu.enqueue_dma source(%arg8 : memref<128x64xf32, #tpu.memory_space<vmem>>) target(%dma_start3A_88 : memref<128x64xf32, #tpu.memory_space<vmem_shared>>) target_semaphore(%run_scoped3A : memref<!tpu.dma_semaphore, #tpu.memory_space<semaphore_mem>>)
      %dma_wait3A_89 = arith.constant 0 : i32
      %dma_wait3A_90 = tpu.memref_slice %arg12[%add3A_20, %dma_wait3A_89] : memref<10248x64xf32, #tpu.memory_space<vmem_shared>> -> memref<128x64xf32, #tpu.memory_space<vmem_shared>>
      %dma_wait3A_91 = arith.constant 0 : i32
      %dma_wait3A_92 = tpu.memref_slice %arg12[%add3A_20, %dma_wait3A_91] : memref<10248x64xf32, #tpu.memory_space<vmem_shared>> -> memref<128x64xf32, #tpu.memory_space<vmem_shared>>
      tpu.wait_dma2 semaphore(%run_scoped3A : memref<!tpu.dma_semaphore, #tpu.memory_space<semaphore_mem>>) src(%arg8 : memref<128x64xf32, #tpu.memory_space<vmem>>) dst(%dma_wait3A_92 : memref<128x64xf32, #tpu.memory_space<vmem_shared>>)
      tpu.yield
    }) : () -> ()
    %add3A_21 = arith.constant 128 : i32
    %add3A_22 = arith.addi %mul3A_19, %add3A_21 : i32
    "tpu.region"() ({
      %run_scoped3A = tpu.sem_alloc : memref<!tpu.dma_semaphore, #tpu.memory_space<semaphore_mem>>
      %dma_start3A_85 = arith.constant 0 : i32
      %dma_start3A_86 = tpu.memref_slice %arg12[%add3A_22, %dma_start3A_85] : memref<10248x64xf32, #tpu.memory_space<vmem_shared>> -> memref<128x64xf32, #tpu.memory_space<vmem_shared>>
      %dma_start3A_87 = arith.constant 0 : i32
      %dma_start3A_88 = tpu.memref_slice %arg12[%add3A_22, %dma_start3A_87] : memref<10248x64xf32, #tpu.memory_space<vmem_shared>> -> memref<128x64xf32, #tpu.memory_space<vmem_shared>>
      tpu.enqueue_dma source(%arg8 : memref<128x64xf32, #tpu.memory_space<vmem>>) target(%dma_start3A_88 : memref<128x64xf32, #tpu.memory_space<vmem_shared>>) target_semaphore(%run_scoped3A : memref<!tpu.dma_semaphore, #tpu.memory_space<semaphore_mem>>)
      %dma_wait3A_89 = arith.constant 0 : i32
      %dma_wait3A_90 = tpu.memref_slice %arg12[%add3A_22, %dma_wait3A_89] : memref<10248x64xf32, #tpu.memory_space<vmem_shared>> -> memref<128x64xf32, #tpu.memory_space<vmem_shared>>
      %dma_wait3A_91 = arith.constant 0 : i32
      %dma_wait3A_92 = tpu.memref_slice %arg12[%add3A_22, %dma_wait3A_91] : memref<10248x64xf32, #tpu.memory_space<vmem_shared>> -> memref<128x64xf32, #tpu.memory_space<vmem_shared>>
      tpu.wait_dma2 semaphore(%run_scoped3A : memref<!tpu.dma_semaphore, #tpu.memory_space<semaphore_mem>>) src(%arg8 : memref<128x64xf32, #tpu.memory_space<vmem>>) dst(%dma_wait3A_92 : memref<128x64xf32, #tpu.memory_space<vmem_shared>>)
      tpu.yield
    }) : () -> ()
    %add3A_23 = arith.constant 256 : i32
    %add3A_24 = arith.addi %mul3A_19, %add3A_23 : i32
    "tpu.region"() ({
      %run_scoped3A = tpu.sem_alloc : memref<!tpu.dma_semaphore, #tpu.memory_space<semaphore_mem>>
      %dma_start3A_85 = arith.constant 0 : i32
      %dma_start3A_86 = tpu.memref_slice %arg12[%add3A_24, %dma_start3A_85] : memref<10248x64xf32, #tpu.memory_space<vmem_shared>> -> memref<128x64xf32, #tpu.memory_space<vmem_shared>>
      %dma_start3A_87 = arith.constant 0 : i32
      %dma_start3A_88 = tpu.memref_slice %arg12[%add3A_24, %dma_start3A_87] : memref<10248x64xf32, #tpu.memory_space<vmem_shared>> -> memref<128x64xf32, #tpu.memory_space<vmem_shared>>
      tpu.enqueue_dma source(%arg8 : memref<128x64xf32, #tpu.memory_space<vmem>>) target(%dma_start3A_88 : memref<128x64xf32, #tpu.memory_space<vmem_shared>>) target_semaphore(%run_scoped3A : memref<!tpu.dma_semaphore, #tpu.memory_space<semaphore_mem>>)
      %dma_wait3A_89 = arith.constant 0 : i32
      %dma_wait3A_90 = tpu.memref_slice %arg12[%add3A_24, %dma_wait3A_89] : memref<10248x64xf32, #tpu.memory_space<vmem_shared>> -> memref<128x64xf32, #tpu.memory_space<vmem_shared>>
      %dma_wait3A_91 = arith.constant 0 : i32
      %dma_wait3A_92 = tpu.memref_slice %arg12[%add3A_24, %dma_wait3A_91] : memref<10248x64xf32, #tpu.memory_space<vmem_shared>> -> memref<128x64xf32, #tpu.memory_space<vmem_shared>>
      tpu.wait_dma2 semaphore(%run_scoped3A : memref<!tpu.dma_semaphore, #tpu.memory_space<semaphore_mem>>) src(%arg8 : memref<128x64xf32, #tpu.memory_space<vmem>>) dst(%dma_wait3A_92 : memref<128x64xf32, #tpu.memory_space<vmem_shared>>)
      tpu.yield
    }) : () -> ()
    %add3A_25 = arith.constant 384 : i32
    %add3A_26 = arith.addi %mul3A_19, %add3A_25 : i32
    "tpu.region"() ({
      %run_scoped3A = tpu.sem_alloc : memref<!tpu.dma_semaphore, #tpu.memory_space<semaphore_mem>>
      %dma_start3A_85 = arith.constant 0 : i32
      %dma_start3A_86 = tpu.memref_slice %arg12[%add3A_26, %dma_start3A_85] : memref<10248x64xf32, #tpu.memory_space<vmem_shared>> -> memref<128x64xf32, #tpu.memory_space<vmem_shared>>
      %dma_start3A_87 = arith.constant 0 : i32
      %dma_start3A_88 = tpu.memref_slice %arg12[%add3A_26, %dma_start3A_87] : memref<10248x64xf32, #tpu.memory_space<vmem_shared>> -> memref<128x64xf32, #tpu.memory_space<vmem_shared>>
      tpu.enqueue_dma source(%arg8 : memref<128x64xf32, #tpu.memory_space<vmem>>) target(%dma_start3A_88 : memref<128x64xf32, #tpu.memory_space<vmem_shared>>) target_semaphore(%run_scoped3A : memref<!tpu.dma_semaphore, #tpu.memory_space<semaphore_mem>>)
      %dma_wait3A_89 = arith.constant 0 : i32
      %dma_wait3A_90 = tpu.memref_slice %arg12[%add3A_26, %dma_wait3A_89] : memref<10248x64xf32, #tpu.memory_space<vmem_shared>> -> memref<128x64xf32, #tpu.memory_space<vmem_shared>>
      %dma_wait3A_91 = arith.constant 0 : i32
      %dma_wait3A_92 = tpu.memref_slice %arg12[%add3A_26, %dma_wait3A_91] : memref<10248x64xf32, #tpu.memory_space<vmem_shared>> -> memref<128x64xf32, #tpu.memory_space<vmem_shared>>
      tpu.wait_dma2 semaphore(%run_scoped3A : memref<!tpu.dma_semaphore, #tpu.memory_space<semaphore_mem>>) src(%arg8 : memref<128x64xf32, #tpu.memory_space<vmem>>) dst(%dma_wait3A_92 : memref<128x64xf32, #tpu.memory_space<vmem_shared>>)
      tpu.yield
    }) : () -> ()
    %add3A_27 = arith.constant 512 : i32
    %add3A_28 = arith.addi %mul3A_19, %add3A_27 : i32
    "tpu.region"() ({
      %run_scoped3A = tpu.sem_alloc : memref<!tpu.dma_semaphore, #tpu.memory_space<semaphore_mem>>
      %dma_start3A_85 = arith.constant 0 : i32
      %dma_start3A_86 = tpu.memref_slice %arg12[%add3A_28, %dma_start3A_85] : memref<10248x64xf32, #tpu.memory_space<vmem_shared>> -> memref<128x64xf32, #tpu.memory_space<vmem_shared>>
      %dma_start3A_87 = arith.constant 0 : i32
      %dma_start3A_88 = tpu.memref_slice %arg12[%add3A_28, %dma_start3A_87] : memref<10248x64xf32, #tpu.memory_space<vmem_shared>> -> memref<128x64xf32, #tpu.memory_space<vmem_shared>>
      tpu.enqueue_dma source(%arg8 : memref<128x64xf32, #tpu.memory_space<vmem>>) target(%dma_start3A_88 : memref<128x64xf32, #tpu.memory_space<vmem_shared>>) target_semaphore(%run_scoped3A : memref<!tpu.dma_semaphore, #tpu.memory_space<semaphore_mem>>)
      %dma_wait3A_89 = arith.constant 0 : i32
      %dma_wait3A_90 = tpu.memref_slice %arg12[%add3A_28, %dma_wait3A_89] : memref<10248x64xf32, #tpu.memory_space<vmem_shared>> -> memref<128x64xf32, #tpu.memory_space<vmem_shared>>
      %dma_wait3A_91 = arith.constant 0 : i32
      %dma_wait3A_92 = tpu.memref_slice %arg12[%add3A_28, %dma_wait3A_91] : memref<10248x64xf32, #tpu.memory_space<vmem_shared>> -> memref<128x64xf32, #tpu.memory_space<vmem_shared>>
      tpu.wait_dma2 semaphore(%run_scoped3A : memref<!tpu.dma_semaphore, #tpu.memory_space<semaphore_mem>>) src(%arg8 : memref<128x64xf32, #tpu.memory_space<vmem>>) dst(%dma_wait3A_92 : memref<128x64xf32, #tpu.memory_space<vmem_shared>>)
      tpu.yield
    }) : () -> ()
    %eq3A = arith.constant 15 : i32
    %eq3A_29 = arith.cmpi eq, %arg1, %eq3A : i32
    %convert_element_type3A = arith.extui %eq3A_29 : i1 to i32
    %cond3A = arith.constant 0 : i32
    %cond3A_30 = arith.cmpi ne, %convert_element_type3A, %cond3A : i32
    scf.if %cond3A_30 {
      %add3A_85 = arith.constant 640 : i32
      %add3A_86 = arith.addi %mul3A_19, %add3A_85 : i32
      "tpu.region"() ({
        %run_scoped3A = tpu.sem_alloc : memref<!tpu.dma_semaphore, #tpu.memory_space<semaphore_mem>>
        %dma_start3A_87 = arith.constant 0 : i32
        %dma_start3A_88 = tpu.memref_slice %arg12[%add3A_86, %dma_start3A_87] : memref<10248x64xf32, #tpu.memory_space<vmem_shared>> -> memref<128x64xf32, #tpu.memory_space<vmem_shared>>
        %dma_start3A_89 = arith.constant 0 : i32
        %dma_start3A_90 = tpu.memref_slice %arg12[%add3A_86, %dma_start3A_89] : memref<10248x64xf32, #tpu.memory_space<vmem_shared>> -> memref<128x64xf32, #tpu.memory_space<vmem_shared>>
        tpu.enqueue_dma source(%arg8 : memref<128x64xf32, #tpu.memory_space<vmem>>) target(%dma_start3A_90 : memref<128x64xf32, #tpu.memory_space<vmem_shared>>) target_semaphore(%run_scoped3A : memref<!tpu.dma_semaphore, #tpu.memory_space<semaphore_mem>>)
        %dma_wait3A_91 = arith.constant 0 : i32
        %dma_wait3A_92 = tpu.memref_slice %arg12[%add3A_86, %dma_wait3A_91] : memref<10248x64xf32, #tpu.memory_space<vmem_shared>> -> memref<128x64xf32, #tpu.memory_space<vmem_shared>>
        %dma_wait3A_93 = arith.constant 0 : i32
        %dma_wait3A_94 = tpu.memref_slice %arg12[%add3A_86, %dma_wait3A_93] : memref<10248x64xf32, #tpu.memory_space<vmem_shared>> -> memref<128x64xf32, #tpu.memory_space<vmem_shared>>
        tpu.wait_dma2 semaphore(%run_scoped3A : memref<!tpu.dma_semaphore, #tpu.memory_space<semaphore_mem>>) src(%arg8 : memref<128x64xf32, #tpu.memory_space<vmem>>) dst(%dma_wait3A_94 : memref<128x64xf32, #tpu.memory_space<vmem_shared>>)
        tpu.yield
      }) : () -> ()
    } else {
    }
    %dma_wait3A = arith.constant 0 : i32
    %dma_wait3A_31 = tpu.memref_slice %arg3[%arg0, %mul3A_0, %dma_wait3A] : memref<2x2560x128xi32, #tpu.memory_space<hbm>> -> memref<1x160x128xi32, #tpu.memory_space<hbm>>
    %dma_wait3A_32 = tpu.memref_squeeze %dma_wait3A_31 : memref<1x160x128xi32, #tpu.memory_space<hbm>> -> memref<160x128xi32, #tpu.memory_space<hbm>>
    %dma_wait3A_33 = arith.constant 0 : i32
    %dma_wait3A_34 = tpu.memref_slice %arg3[%arg0, %mul3A_0, %dma_wait3A_33] : memref<2x2560x128xi32, #tpu.memory_space<hbm>> -> memref<1x160x128xi32, #tpu.memory_space<hbm>>
    %dma_wait3A_35 = tpu.memref_squeeze %dma_wait3A_34 : memref<1x160x128xi32, #tpu.memory_space<hbm>> -> memref<160x128xi32, #tpu.memory_space<hbm>>
    tpu.wait_dma2 semaphore(%arg13 : memref<!tpu.dma_semaphore, #tpu.memory_space<semaphore_mem>>) src(%dma_wait3A_35 : memref<160x128xi32, #tpu.memory_space<hbm>>) dst(%arg6 : memref<160x128xi32, #tpu.memory_space<vmem>>)
    %dma_wait3A_36 = arith.constant 0 : i32
    %dma_wait3A_37 = tpu.memref_slice %arg4[%mul3A_7, %dma_wait3A_36] : memref<2560x128xi32, #tpu.memory_space<hbm>> -> memref<160x128xi32, #tpu.memory_space<hbm>>
    %dma_wait3A_38 = arith.constant 0 : i32
    %dma_wait3A_39 = tpu.memref_slice %arg4[%mul3A_7, %dma_wait3A_38] : memref<2560x128xi32, #tpu.memory_space<hbm>> -> memref<160x128xi32, #tpu.memory_space<hbm>>
    tpu.wait_dma2 semaphore(%arg13 : memref<!tpu.dma_semaphore, #tpu.memory_space<semaphore_mem>>) src(%dma_wait3A_39 : memref<160x128xi32, #tpu.memory_space<hbm>>) dst(%arg7 : memref<160x128xi32, #tpu.memory_space<vmem>>)
    %barrier3A = arith.constant 0 : index
    tpu.barrier barrier_id(%barrier3A)
    %dma_start3A_40 = arith.constant 0 : i32
    %dma_start3A_41 = arith.constant 0 : i32
    %dma_start3A_42 = tpu.memref_slice %arg6[%dma_start3A_40, %dma_start3A_41] : memref<160x128xi32, #tpu.memory_space<vmem>> -> memref<1x128xi32, #tpu.memory_space<vmem>>
    %dma_start3A_43 = tpu.memref_squeeze %dma_start3A_42 : memref<1x128xi32, #tpu.memory_space<vmem>> -> memref<128xi32, #tpu.memory_space<vmem>>
    %dma_start3A_44 = arith.constant 0 : i32
    %dma_start3A_45 = arith.constant 0 : i32
    %dma_start3A_46 = tpu.memref_slice %arg2[%dma_start3A_44, %dma_start3A_45] : memref<20000x64xf32, #tpu.memory_space<hbm>> -> memref<20000x64xf32, #tpu.memory_space<hbm>>
    tpu.enqueue_indirect_dma source(%dma_start3A_46 : memref<20000x64xf32, #tpu.memory_space<hbm>>) target(%arg8 : memref<128x64xf32, #tpu.memory_space<vmem>>) offsets(%dma_start3A_43 : memref<128xi32, #tpu.memory_space<vmem>>) semaphore(%arg14 : memref<!tpu.dma_semaphore, #tpu.memory_space<semaphore_mem>>)
    %dma_start3A_47 = arith.constant 1 : i32
    %dma_start3A_48 = arith.constant 0 : i32
    %dma_start3A_49 = tpu.memref_slice %arg6[%dma_start3A_47, %dma_start3A_48] : memref<160x128xi32, #tpu.memory_space<vmem>> -> memref<1x128xi32, #tpu.memory_space<vmem>>
    %dma_start3A_50 = tpu.memref_squeeze %dma_start3A_49 : memref<1x128xi32, #tpu.memory_space<vmem>> -> memref<128xi32, #tpu.memory_space<vmem>>
    %dma_start3A_51 = arith.constant 0 : i32
    %dma_start3A_52 = arith.constant 0 : i32
    %dma_start3A_53 = tpu.memref_slice %arg2[%dma_start3A_51, %dma_start3A_52] : memref<20000x64xf32, #tpu.memory_space<hbm>> -> memref<20000x64xf32, #tpu.memory_space<hbm>>
    tpu.enqueue_indirect_dma source(%dma_start3A_53 : memref<20000x64xf32, #tpu.memory_space<hbm>>) target(%arg9 : memref<128x64xf32, #tpu.memory_space<vmem>>) offsets(%dma_start3A_50 : memref<128xi32, #tpu.memory_space<vmem>>) semaphore(%arg15 : memref<!tpu.dma_semaphore, #tpu.memory_space<semaphore_mem>>)
    %dma_start3A_54 = arith.constant 2 : i32
    %dma_start3A_55 = arith.constant 0 : i32
    %dma_start3A_56 = tpu.memref_slice %arg6[%dma_start3A_54, %dma_start3A_55] : memref<160x128xi32, #tpu.memory_space<vmem>> -> memref<1x128xi32, #tpu.memory_space<vmem>>
    %dma_start3A_57 = tpu.memref_squeeze %dma_start3A_56 : memref<1x128xi32, #tpu.memory_space<vmem>> -> memref<128xi32, #tpu.memory_space<vmem>>
    %dma_start3A_58 = arith.constant 0 : i32
    %dma_start3A_59 = arith.constant 0 : i32
    %dma_start3A_60 = tpu.memref_slice %arg2[%dma_start3A_58, %dma_start3A_59] : memref<20000x64xf32, #tpu.memory_space<hbm>> -> memref<20000x64xf32, #tpu.memory_space<hbm>>
    tpu.enqueue_indirect_dma source(%dma_start3A_60 : memref<20000x64xf32, #tpu.memory_space<hbm>>) target(%arg10 : memref<128x64xf32, #tpu.memory_space<vmem>>) offsets(%dma_start3A_57 : memref<128xi32, #tpu.memory_space<vmem>>) semaphore(%arg16 : memref<!tpu.dma_semaphore, #tpu.memory_space<semaphore_mem>>)
    %scan3A_61 = arith.constant 0 : i32
    %scan3A_62 = arith.constant 0 : i32
    %scan3A_63 = arith.constant 40 : i32
    %scan3A_64 = arith.addi %scan3A_62, %scan3A_63 : i32
    %scan3A_65 = arith.constant 1 : i32
    %scan3A_66 = scf.for %scan3A_85 = %scan3A_62 to %scan3A_64 step %scan3A_65 iter_args(%scan3A_86 = %scan3A_61) -> (i32)  : i32 {
      %mul3A_87 = arith.constant 4 : i32
      %mul3A_88 = arith.muli %scan3A_85, %mul3A_87 : i32
      %add3A_89 = arith.constant 0 : i32
      %add3A_90 = arith.addi %mul3A_88, %add3A_89 : i32
      %dma_wait3A_91 = arith.constant 0 : i32
      %dma_wait3A_92 = tpu.memref_slice %arg6[%add3A_90, %dma_wait3A_91] : memref<160x128xi32, #tpu.memory_space<vmem>> -> memref<1x128xi32, #tpu.memory_space<vmem>>
      %dma_wait3A_93 = tpu.memref_squeeze %dma_wait3A_92 : memref<1x128xi32, #tpu.memory_space<vmem>> -> memref<128xi32, #tpu.memory_space<vmem>>
      %dma_wait3A_94 = arith.constant 0 : i32
      %dma_wait3A_95 = arith.constant 0 : i32
      %dma_wait3A_96 = tpu.memref_slice %arg2[%dma_wait3A_94, %dma_wait3A_95] : memref<20000x64xf32, #tpu.memory_space<hbm>> -> memref<20000x64xf32, #tpu.memory_space<hbm>>
      tpu.wait_indirect_dma semaphore(%arg14 : memref<!tpu.dma_semaphore, #tpu.memory_space<semaphore_mem>>) src(%dma_wait3A_96 : memref<20000x64xf32, #tpu.memory_space<hbm>>) dst(%arg8 : memref<128x64xf32, #tpu.memory_space<vmem>>)
      %dma_start3A_97 = arith.constant 0 : i32
      %dma_start3A_98 = tpu.memref_slice %arg7[%add3A_90, %dma_start3A_97] : memref<160x128xi32, #tpu.memory_space<vmem>> -> memref<1x128xi32, #tpu.memory_space<vmem>>
      %dma_start3A_99 = tpu.memref_squeeze %dma_start3A_98 : memref<1x128xi32, #tpu.memory_space<vmem>> -> memref<128xi32, #tpu.memory_space<vmem>>
      %dma_start3A_100 = arith.constant 0 : i32
      %dma_start3A_101 = arith.constant 0 : i32
      %dma_start3A_102 = tpu.memref_slice %arg12[%dma_start3A_100, %dma_start3A_101] : memref<10248x64xf32, #tpu.memory_space<vmem_shared>> -> memref<10248x64xf32, #tpu.memory_space<vmem_shared>>
      tpu.enqueue_indirect_dma source(%arg8 : memref<128x64xf32, #tpu.memory_space<vmem>>) target(%dma_start3A_102 : memref<10248x64xf32, #tpu.memory_space<vmem_shared>>) offsets(%dma_start3A_99 : memref<128xi32, #tpu.memory_space<vmem>>) semaphore(%arg18 : memref<!tpu.dma_semaphore, #tpu.memory_space<semaphore_mem>>) {add = true}
      %ge3A = arith.constant 1 : i32
      %ge3A_103 = arith.cmpi sge, %add3A_90, %ge3A : i32
      %convert_element_type3A_104 = arith.extui %ge3A_103 : i1 to i32
      %cond3A_105 = arith.constant 0 : i32
      %cond3A_106 = arith.cmpi ne, %convert_element_type3A_104, %cond3A_105 : i32
      scf.if %cond3A_106 {
        %sub3A = arith.constant 1 : i32
        %sub3A_199 = arith.subi %add3A_90, %sub3A : i32
        %dma_wait3A_200 = arith.constant 0 : i32
        %dma_wait3A_201 = tpu.memref_slice %arg7[%sub3A_199, %dma_wait3A_200] : memref<160x128xi32, #tpu.memory_space<vmem>> -> memref<1x128xi32, #tpu.memory_space<vmem>>
        %dma_wait3A_202 = tpu.memref_squeeze %dma_wait3A_201 : memref<1x128xi32, #tpu.memory_space<vmem>> -> memref<128xi32, #tpu.memory_space<vmem>>
        %dma_wait3A_203 = arith.constant 0 : i32
        %dma_wait3A_204 = arith.constant 0 : i32
        %dma_wait3A_205 = tpu.memref_slice %arg12[%dma_wait3A_203, %dma_wait3A_204] : memref<10248x64xf32, #tpu.memory_space<vmem_shared>> -> memref<10248x64xf32, #tpu.memory_space<vmem_shared>>
        tpu.wait_indirect_dma semaphore(%arg21 : memref<!tpu.dma_semaphore, #tpu.memory_space<semaphore_mem>>) src(%arg11 : memref<128x64xf32, #tpu.memory_space<vmem>>) dst(%dma_wait3A_205 : memref<10248x64xf32, #tpu.memory_space<vmem_shared>>)
      } else {
      }
      %add3A_107 = arith.constant 3 : i32
      %add3A_108 = arith.addi %add3A_90, %add3A_107 : i32
      %lt3A_109 = arith.constant 160 : i32
      %lt3A_110 = arith.cmpi slt, %add3A_108, %lt3A_109 : i32
      %convert_element_type3A_111 = arith.extui %lt3A_110 : i1 to i32
      %cond3A_112 = arith.constant 0 : i32
      %cond3A_113 = arith.cmpi ne, %convert_element_type3A_111, %cond3A_112 : i32
      scf.if %cond3A_113 {
        %add3A_199 = arith.constant 3 : i32
        %add3A_200 = arith.addi %add3A_90, %add3A_199 : i32
        %dma_start3A_201 = arith.constant 0 : i32
        %dma_start3A_202 = tpu.memref_slice %arg6[%add3A_200, %dma_start3A_201] : memref<160x128xi32, #tpu.memory_space<vmem>> -> memref<1x128xi32, #tpu.memory_space<vmem>>
        %dma_start3A_203 = tpu.memref_squeeze %dma_start3A_202 : memref<1x128xi32, #tpu.memory_space<vmem>> -> memref<128xi32, #tpu.memory_space<vmem>>
        %dma_start3A_204 = arith.constant 0 : i32
        %dma_start3A_205 = arith.constant 0 : i32
        %dma_start3A_206 = tpu.memref_slice %arg2[%dma_start3A_204, %dma_start3A_205] : memref<20000x64xf32, #tpu.memory_space<hbm>> -> memref<20000x64xf32, #tpu.memory_space<hbm>>
        tpu.enqueue_indirect_dma source(%dma_start3A_206 : memref<20000x64xf32, #tpu.memory_space<hbm>>) target(%arg11 : memref<128x64xf32, #tpu.memory_space<vmem>>) offsets(%dma_start3A_203 : memref<128xi32, #tpu.memory_space<vmem>>) semaphore(%arg17 : memref<!tpu.dma_semaphore, #tpu.memory_space<semaphore_mem>>)
      } else {
      }
      %mul3A_114 = arith.constant 4 : i32
      %mul3A_115 = arith.muli %scan3A_85, %mul3A_114 : i32
      %add3A_116 = arith.constant 1 : i32
      %add3A_117 = arith.addi %mul3A_115, %add3A_116 : i32
      %dma_wait3A_118 = arith.constant 0 : i32
      %dma_wait3A_119 = tpu.memref_slice %arg6[%add3A_117, %dma_wait3A_118] : memref<160x128xi32, #tpu.memory_space<vmem>> -> memref<1x128xi32, #tpu.memory_space<vmem>>
      %dma_wait3A_120 = tpu.memref_squeeze %dma_wait3A_119 : memref<1x128xi32, #tpu.memory_space<vmem>> -> memref<128xi32, #tpu.memory_space<vmem>>
      %dma_wait3A_121 = arith.constant 0 : i32
      %dma_wait3A_122 = arith.constant 0 : i32
      %dma_wait3A_123 = tpu.memref_slice %arg2[%dma_wait3A_121, %dma_wait3A_122] : memref<20000x64xf32, #tpu.memory_space<hbm>> -> memref<20000x64xf32, #tpu.memory_space<hbm>>
      tpu.wait_indirect_dma semaphore(%arg15 : memref<!tpu.dma_semaphore, #tpu.memory_space<semaphore_mem>>) src(%dma_wait3A_123 : memref<20000x64xf32, #tpu.memory_space<hbm>>) dst(%arg9 : memref<128x64xf32, #tpu.memory_space<vmem>>)
      %dma_start3A_124 = arith.constant 0 : i32
      %dma_start3A_125 = tpu.memref_slice %arg7[%add3A_117, %dma_start3A_124] : memref<160x128xi32, #tpu.memory_space<vmem>> -> memref<1x128xi32, #tpu.memory_space<vmem>>
      %dma_start3A_126 = tpu.memref_squeeze %dma_start3A_125 : memref<1x128xi32, #tpu.memory_space<vmem>> -> memref<128xi32, #tpu.memory_space<vmem>>
      %dma_start3A_127 = arith.constant 0 : i32
      %dma_start3A_128 = arith.constant 0 : i32
      %dma_start3A_129 = tpu.memref_slice %arg12[%dma_start3A_127, %dma_start3A_128] : memref<10248x64xf32, #tpu.memory_space<vmem_shared>> -> memref<10248x64xf32, #tpu.memory_space<vmem_shared>>
      tpu.enqueue_indirect_dma source(%arg9 : memref<128x64xf32, #tpu.memory_space<vmem>>) target(%dma_start3A_129 : memref<10248x64xf32, #tpu.memory_space<vmem_shared>>) offsets(%dma_start3A_126 : memref<128xi32, #tpu.memory_space<vmem>>) semaphore(%arg19 : memref<!tpu.dma_semaphore, #tpu.memory_space<semaphore_mem>>) {add = true}
      %ge3A_130 = arith.constant 1 : i32
      %ge3A_131 = arith.cmpi sge, %add3A_117, %ge3A_130 : i32
      %convert_element_type3A_132 = arith.extui %ge3A_131 : i1 to i32
      %cond3A_133 = arith.constant 0 : i32
      %cond3A_134 = arith.cmpi ne, %convert_element_type3A_132, %cond3A_133 : i32
      scf.if %cond3A_134 {
        %sub3A = arith.constant 1 : i32
        %sub3A_199 = arith.subi %add3A_117, %sub3A : i32
        %dma_wait3A_200 = arith.constant 0 : i32
        %dma_wait3A_201 = tpu.memref_slice %arg7[%sub3A_199, %dma_wait3A_200] : memref<160x128xi32, #tpu.memory_space<vmem>> -> memref<1x128xi32, #tpu.memory_space<vmem>>
        %dma_wait3A_202 = tpu.memref_squeeze %dma_wait3A_201 : memref<1x128xi32, #tpu.memory_space<vmem>> -> memref<128xi32, #tpu.memory_space<vmem>>
        %dma_wait3A_203 = arith.constant 0 : i32
        %dma_wait3A_204 = arith.constant 0 : i32
        %dma_wait3A_205 = tpu.memref_slice %arg12[%dma_wait3A_203, %dma_wait3A_204] : memref<10248x64xf32, #tpu.memory_space<vmem_shared>> -> memref<10248x64xf32, #tpu.memory_space<vmem_shared>>
        tpu.wait_indirect_dma semaphore(%arg18 : memref<!tpu.dma_semaphore, #tpu.memory_space<semaphore_mem>>) src(%arg8 : memref<128x64xf32, #tpu.memory_space<vmem>>) dst(%dma_wait3A_205 : memref<10248x64xf32, #tpu.memory_space<vmem_shared>>)
      } else {
      }
      %add3A_135 = arith.constant 3 : i32
      %add3A_136 = arith.addi %add3A_117, %add3A_135 : i32
      %lt3A_137 = arith.constant 160 : i32
      %lt3A_138 = arith.cmpi slt, %add3A_136, %lt3A_137 : i32
      %convert_element_type3A_139 = arith.extui %lt3A_138 : i1 to i32
      %cond3A_140 = arith.constant 0 : i32
      %cond3A_141 = arith.cmpi ne, %convert_element_type3A_139, %cond3A_140 : i32
      scf.if %cond3A_141 {
        %add3A_199 = arith.constant 3 : i32
        %add3A_200 = arith.addi %add3A_117, %add3A_199 : i32
        %dma_start3A_201 = arith.constant 0 : i32
        %dma_start3A_202 = tpu.memref_slice %arg6[%add3A_200, %dma_start3A_201] : memref<160x128xi32, #tpu.memory_space<vmem>> -> memref<1x128xi32, #tpu.memory_space<vmem>>
        %dma_start3A_203 = tpu.memref_squeeze %dma_start3A_202 : memref<1x128xi32, #tpu.memory_space<vmem>> -> memref<128xi32, #tpu.memory_space<vmem>>
        %dma_start3A_204 = arith.constant 0 : i32
        %dma_start3A_205 = arith.constant 0 : i32
        %dma_start3A_206 = tpu.memref_slice %arg2[%dma_start3A_204, %dma_start3A_205] : memref<20000x64xf32, #tpu.memory_space<hbm>> -> memref<20000x64xf32, #tpu.memory_space<hbm>>
        tpu.enqueue_indirect_dma source(%dma_start3A_206 : memref<20000x64xf32, #tpu.memory_space<hbm>>) target(%arg8 : memref<128x64xf32, #tpu.memory_space<vmem>>) offsets(%dma_start3A_203 : memref<128xi32, #tpu.memory_space<vmem>>) semaphore(%arg14 : memref<!tpu.dma_semaphore, #tpu.memory_space<semaphore_mem>>)
      } else {
      }
      %mul3A_142 = arith.constant 4 : i32
      %mul3A_143 = arith.muli %scan3A_85, %mul3A_142 : i32
      %add3A_144 = arith.constant 2 : i32
      %add3A_145 = arith.addi %mul3A_143, %add3A_144 : i32
      %dma_wait3A_146 = arith.constant 0 : i32
      %dma_wait3A_147 = tpu.memref_slice %arg6[%add3A_145, %dma_wait3A_146] : memref<160x128xi32, #tpu.memory_space<vmem>> -> memref<1x128xi32, #tpu.memory_space<vmem>>
      %dma_wait3A_148 = tpu.memref_squeeze %dma_wait3A_147 : memref<1x128xi32, #tpu.memory_space<vmem>> -> memref<128xi32, #tpu.memory_space<vmem>>
      %dma_wait3A_149 = arith.constant 0 : i32
      %dma_wait3A_150 = arith.constant 0 : i32
      %dma_wait3A_151 = tpu.memref_slice %arg2[%dma_wait3A_149, %dma_wait3A_150] : memref<20000x64xf32, #tpu.memory_space<hbm>> -> memref<20000x64xf32, #tpu.memory_space<hbm>>
      tpu.wait_indirect_dma semaphore(%arg16 : memref<!tpu.dma_semaphore, #tpu.memory_space<semaphore_mem>>) src(%dma_wait3A_151 : memref<20000x64xf32, #tpu.memory_space<hbm>>) dst(%arg10 : memref<128x64xf32, #tpu.memory_space<vmem>>)
      %dma_start3A_152 = arith.constant 0 : i32
      %dma_start3A_153 = tpu.memref_slice %arg7[%add3A_145, %dma_start3A_152] : memref<160x128xi32, #tpu.memory_space<vmem>> -> memref<1x128xi32, #tpu.memory_space<vmem>>
      %dma_start3A_154 = tpu.memref_squeeze %dma_start3A_153 : memref<1x128xi32, #tpu.memory_space<vmem>> -> memref<128xi32, #tpu.memory_space<vmem>>
      %dma_start3A_155 = arith.constant 0 : i32
      %dma_start3A_156 = arith.constant 0 : i32
      %dma_start3A_157 = tpu.memref_slice %arg12[%dma_start3A_155, %dma_start3A_156] : memref<10248x64xf32, #tpu.memory_space<vmem_shared>> -> memref<10248x64xf32, #tpu.memory_space<vmem_shared>>
      tpu.enqueue_indirect_dma source(%arg10 : memref<128x64xf32, #tpu.memory_space<vmem>>) target(%dma_start3A_157 : memref<10248x64xf32, #tpu.memory_space<vmem_shared>>) offsets(%dma_start3A_154 : memref<128xi32, #tpu.memory_space<vmem>>) semaphore(%arg20 : memref<!tpu.dma_semaphore, #tpu.memory_space<semaphore_mem>>) {add = true}
      %ge3A_158 = arith.constant 1 : i32
      %ge3A_159 = arith.cmpi sge, %add3A_145, %ge3A_158 : i32
      %convert_element_type3A_160 = arith.extui %ge3A_159 : i1 to i32
      %cond3A_161 = arith.constant 0 : i32
      %cond3A_162 = arith.cmpi ne, %convert_element_type3A_160, %cond3A_161 : i32
      scf.if %cond3A_162 {
        %sub3A = arith.constant 1 : i32
        %sub3A_199 = arith.subi %add3A_145, %sub3A : i32
        %dma_wait3A_200 = arith.constant 0 : i32
        %dma_wait3A_201 = tpu.memref_slice %arg7[%sub3A_199, %dma_wait3A_200] : memref<160x128xi32, #tpu.memory_space<vmem>> -> memref<1x128xi32, #tpu.memory_space<vmem>>
        %dma_wait3A_202 = tpu.memref_squeeze %dma_wait3A_201 : memref<1x128xi32, #tpu.memory_space<vmem>> -> memref<128xi32, #tpu.memory_space<vmem>>
        %dma_wait3A_203 = arith.constant 0 : i32
        %dma_wait3A_204 = arith.constant 0 : i32
        %dma_wait3A_205 = tpu.memref_slice %arg12[%dma_wait3A_203, %dma_wait3A_204] : memref<10248x64xf32, #tpu.memory_space<vmem_shared>> -> memref<10248x64xf32, #tpu.memory_space<vmem_shared>>
        tpu.wait_indirect_dma semaphore(%arg19 : memref<!tpu.dma_semaphore, #tpu.memory_space<semaphore_mem>>) src(%arg9 : memref<128x64xf32, #tpu.memory_space<vmem>>) dst(%dma_wait3A_205 : memref<10248x64xf32, #tpu.memory_space<vmem_shared>>)
      } else {
      }
      %add3A_163 = arith.constant 3 : i32
      %add3A_164 = arith.addi %add3A_145, %add3A_163 : i32
      %lt3A_165 = arith.constant 160 : i32
      %lt3A_166 = arith.cmpi slt, %add3A_164, %lt3A_165 : i32
      %convert_element_type3A_167 = arith.extui %lt3A_166 : i1 to i32
      %cond3A_168 = arith.constant 0 : i32
      %cond3A_169 = arith.cmpi ne, %convert_element_type3A_167, %cond3A_168 : i32
      scf.if %cond3A_169 {
        %add3A_199 = arith.constant 3 : i32
        %add3A_200 = arith.addi %add3A_145, %add3A_199 : i32
        %dma_start3A_201 = arith.constant 0 : i32
        %dma_start3A_202 = tpu.memref_slice %arg6[%add3A_200, %dma_start3A_201] : memref<160x128xi32, #tpu.memory_space<vmem>> -> memref<1x128xi32, #tpu.memory_space<vmem>>
        %dma_start3A_203 = tpu.memref_squeeze %dma_start3A_202 : memref<1x128xi32, #tpu.memory_space<vmem>> -> memref<128xi32, #tpu.memory_space<vmem>>
        %dma_start3A_204 = arith.constant 0 : i32
        %dma_start3A_205 = arith.constant 0 : i32
        %dma_start3A_206 = tpu.memref_slice %arg2[%dma_start3A_204, %dma_start3A_205] : memref<20000x64xf32, #tpu.memory_space<hbm>> -> memref<20000x64xf32, #tpu.memory_space<hbm>>
        tpu.enqueue_indirect_dma source(%dma_start3A_206 : memref<20000x64xf32, #tpu.memory_space<hbm>>) target(%arg9 : memref<128x64xf32, #tpu.memory_space<vmem>>) offsets(%dma_start3A_203 : memref<128xi32, #tpu.memory_space<vmem>>) semaphore(%arg15 : memref<!tpu.dma_semaphore, #tpu.memory_space<semaphore_mem>>)
      } else {
      }
      %mul3A_170 = arith.constant 4 : i32
      %mul3A_171 = arith.muli %scan3A_85, %mul3A_170 : i32
      %add3A_172 = arith.constant 3 : i32
      %add3A_173 = arith.addi %mul3A_171, %add3A_172 : i32
      %dma_wait3A_174 = arith.constant 0 : i32
      %dma_wait3A_175 = tpu.memref_slice %arg6[%add3A_173, %dma_wait3A_174] : memref<160x128xi32, #tpu.memory_space<vmem>> -> memref<1x128xi32, #tpu.memory_space<vmem>>
      %dma_wait3A_176 = tpu.memref_squeeze %dma_wait3A_175 : memref<1x128xi32, #tpu.memory_space<vmem>> -> memref<128xi32, #tpu.memory_space<vmem>>
      %dma_wait3A_177 = arith.constant 0 : i32
      %dma_wait3A_178 = arith.constant 0 : i32
      %dma_wait3A_179 = tpu.memref_slice %arg2[%dma_wait3A_177, %dma_wait3A_178] : memref<20000x64xf32, #tpu.memory_space<hbm>> -> memref<20000x64xf32, #tpu.memory_space<hbm>>
      tpu.wait_indirect_dma semaphore(%arg17 : memref<!tpu.dma_semaphore, #tpu.memory_space<semaphore_mem>>) src(%dma_wait3A_179 : memref<20000x64xf32, #tpu.memory_space<hbm>>) dst(%arg11 : memref<128x64xf32, #tpu.memory_space<vmem>>)
      %dma_start3A_180 = arith.constant 0 : i32
      %dma_start3A_181 = tpu.memref_slice %arg7[%add3A_173, %dma_start3A_180] : memref<160x128xi32, #tpu.memory_space<vmem>> -> memref<1x128xi32, #tpu.memory_space<vmem>>
      %dma_start3A_182 = tpu.memref_squeeze %dma_start3A_181 : memref<1x128xi32, #tpu.memory_space<vmem>> -> memref<128xi32, #tpu.memory_space<vmem>>
      %dma_start3A_183 = arith.constant 0 : i32
      %dma_start3A_184 = arith.constant 0 : i32
      %dma_start3A_185 = tpu.memref_slice %arg12[%dma_start3A_183, %dma_start3A_184] : memref<10248x64xf32, #tpu.memory_space<vmem_shared>> -> memref<10248x64xf32, #tpu.memory_space<vmem_shared>>
      tpu.enqueue_indirect_dma source(%arg11 : memref<128x64xf32, #tpu.memory_space<vmem>>) target(%dma_start3A_185 : memref<10248x64xf32, #tpu.memory_space<vmem_shared>>) offsets(%dma_start3A_182 : memref<128xi32, #tpu.memory_space<vmem>>) semaphore(%arg21 : memref<!tpu.dma_semaphore, #tpu.memory_space<semaphore_mem>>) {add = true}
      %ge3A_186 = arith.constant 1 : i32
      %ge3A_187 = arith.cmpi sge, %add3A_173, %ge3A_186 : i32
      %convert_element_type3A_188 = arith.extui %ge3A_187 : i1 to i32
      %cond3A_189 = arith.constant 0 : i32
      %cond3A_190 = arith.cmpi ne, %convert_element_type3A_188, %cond3A_189 : i32
      scf.if %cond3A_190 {
        %sub3A = arith.constant 1 : i32
        %sub3A_199 = arith.subi %add3A_173, %sub3A : i32
        %dma_wait3A_200 = arith.constant 0 : i32
        %dma_wait3A_201 = tpu.memref_slice %arg7[%sub3A_199, %dma_wait3A_200] : memref<160x128xi32, #tpu.memory_space<vmem>> -> memref<1x128xi32, #tpu.memory_space<vmem>>
        %dma_wait3A_202 = tpu.memref_squeeze %dma_wait3A_201 : memref<1x128xi32, #tpu.memory_space<vmem>> -> memref<128xi32, #tpu.memory_space<vmem>>
        %dma_wait3A_203 = arith.constant 0 : i32
        %dma_wait3A_204 = arith.constant 0 : i32
        %dma_wait3A_205 = tpu.memref_slice %arg12[%dma_wait3A_203, %dma_wait3A_204] : memref<10248x64xf32, #tpu.memory_space<vmem_shared>> -> memref<10248x64xf32, #tpu.memory_space<vmem_shared>>
        tpu.wait_indirect_dma semaphore(%arg20 : memref<!tpu.dma_semaphore, #tpu.memory_space<semaphore_mem>>) src(%arg10 : memref<128x64xf32, #tpu.memory_space<vmem>>) dst(%dma_wait3A_205 : memref<10248x64xf32, #tpu.memory_space<vmem_shared>>)
      } else {
      }
      %add3A_191 = arith.constant 3 : i32
      %add3A_192 = arith.addi %add3A_173, %add3A_191 : i32
      %lt3A_193 = arith.constant 160 : i32
      %lt3A_194 = arith.cmpi slt, %add3A_192, %lt3A_193 : i32
      %convert_element_type3A_195 = arith.extui %lt3A_194 : i1 to i32
      %cond3A_196 = arith.constant 0 : i32
      %cond3A_197 = arith.cmpi ne, %convert_element_type3A_195, %cond3A_196 : i32
      scf.if %cond3A_197 {
        %add3A_199 = arith.constant 3 : i32
        %add3A_200 = arith.addi %add3A_173, %add3A_199 : i32
        %dma_start3A_201 = arith.constant 0 : i32
        %dma_start3A_202 = tpu.memref_slice %arg6[%add3A_200, %dma_start3A_201] : memref<160x128xi32, #tpu.memory_space<vmem>> -> memref<1x128xi32, #tpu.memory_space<vmem>>
        %dma_start3A_203 = tpu.memref_squeeze %dma_start3A_202 : memref<1x128xi32, #tpu.memory_space<vmem>> -> memref<128xi32, #tpu.memory_space<vmem>>
        %dma_start3A_204 = arith.constant 0 : i32
        %dma_start3A_205 = arith.constant 0 : i32
        %dma_start3A_206 = tpu.memref_slice %arg2[%dma_start3A_204, %dma_start3A_205] : memref<20000x64xf32, #tpu.memory_space<hbm>> -> memref<20000x64xf32, #tpu.memory_space<hbm>>
        tpu.enqueue_indirect_dma source(%dma_start3A_206 : memref<20000x64xf32, #tpu.memory_space<hbm>>) target(%arg10 : memref<128x64xf32, #tpu.memory_space<vmem>>) offsets(%dma_start3A_203 : memref<128xi32, #tpu.memory_space<vmem>>) semaphore(%arg16 : memref<!tpu.dma_semaphore, #tpu.memory_space<semaphore_mem>>)
      } else {
      }
      %scan3A_198 = arith.constant 0 : i32
      scf.yield %scan3A_198 : i32
    }
    %scan3A_67 = arith.constant 40 : i32
    %dma_wait3A_68 = arith.constant 159 : i32
    %dma_wait3A_69 = arith.constant 0 : i32
    %dma_wait3A_70 = tpu.memref_slice %arg7[%dma_wait3A_68, %dma_wait3A_69] : memref<160x128xi32, #tpu.memory_space<vmem>> -> memref<1x128xi32, #tpu.memory_space<vmem>>
    %dma_wait3A_71 = tpu.memref_squeeze %dma_wait3A_70 : memref<1x128xi32, #tpu.memory_space<vmem>> -> memref<128xi32, #tpu.memory_space<vmem>>
    %dma_wait3A_72 = arith.constant 0 : i32
    %dma_wait3A_73 = arith.constant 0 : i32
    %dma_wait3A_74 = tpu.memref_slice %arg12[%dma_wait3A_72, %dma_wait3A_73] : memref<10248x64xf32, #tpu.memory_space<vmem_shared>> -> memref<10248x64xf32, #tpu.memory_space<vmem_shared>>
    tpu.wait_indirect_dma semaphore(%arg21 : memref<!tpu.dma_semaphore, #tpu.memory_space<semaphore_mem>>) src(%arg11 : memref<128x64xf32, #tpu.memory_space<vmem>>) dst(%dma_wait3A_74 : memref<10248x64xf32, #tpu.memory_space<vmem_shared>>)
    %barrier3A_75 = arith.constant 0 : index
    tpu.barrier barrier_id(%barrier3A_75)
    %lt3A = arith.constant 15 : i32
    %lt3A_76 = arith.cmpi slt, %arg1, %lt3A : i32
    %convert_element_type3A_77 = arith.extui %lt3A_76 : i1 to i32
    %cond3A_78 = arith.constant 0 : i32
    %cond3A_79 = arith.cmpi ne, %convert_element_type3A_77, %cond3A_78 : i32
    scf.if %cond3A_79 {
      %mul3A_85 = arith.constant 624 : i32
      %mul3A_86 = arith.muli %arg1, %mul3A_85 : i32
      %mul3A_87 = arith.constant 624 : i32
      %mul3A_88 = arith.muli %arg1, %mul3A_87 : i32
      "tpu.region"() ({
        %run_scoped3A = tpu.sem_alloc : memref<!tpu.dma_semaphore, #tpu.memory_space<semaphore_mem>>
        %dma_start3A_89 = arith.constant 0 : i32
        %dma_start3A_90 = tpu.memref_slice %arg5[%arg0, %mul3A_88, %dma_start3A_89] : memref<2x10000x64xf32, #tpu.memory_space<hbm>> -> memref<1x624x64xf32, #tpu.memory_space<hbm>>
        %dma_start3A_91 = tpu.memref_squeeze %dma_start3A_90 : memref<1x624x64xf32, #tpu.memory_space<hbm>> -> memref<624x64xf32, #tpu.memory_space<hbm>>
        %dma_start3A_92 = arith.constant 0 : i32
        %dma_start3A_93 = tpu.memref_slice %arg12[%mul3A_86, %dma_start3A_92] : memref<10248x64xf32, #tpu.memory_space<vmem_shared>> -> memref<624x64xf32, #tpu.memory_space<vmem_shared>>
        tpu.enqueue_dma source(%dma_start3A_93 : memref<624x64xf32, #tpu.memory_space<vmem_shared>>) target(%dma_start3A_91 : memref<624x64xf32, #tpu.memory_space<hbm>>) target_semaphore(%run_scoped3A : memref<!tpu.dma_semaphore, #tpu.memory_space<semaphore_mem>>)
        %dma_wait3A_94 = arith.constant 0 : i32
        %dma_wait3A_95 = tpu.memref_slice %arg5[%arg0, %mul3A_88, %dma_wait3A_94] : memref<2x10000x64xf32, #tpu.memory_space<hbm>> -> memref<1x624x64xf32, #tpu.memory_space<hbm>>
        %dma_wait3A_96 = tpu.memref_squeeze %dma_wait3A_95 : memref<1x624x64xf32, #tpu.memory_space<hbm>> -> memref<624x64xf32, #tpu.memory_space<hbm>>
        %dma_wait3A_97 = arith.constant 0 : i32
        %dma_wait3A_98 = tpu.memref_slice %arg12[%mul3A_86, %dma_wait3A_97] : memref<10248x64xf32, #tpu.memory_space<vmem_shared>> -> memref<624x64xf32, #tpu.memory_space<vmem_shared>>
        tpu.wait_dma2 semaphore(%run_scoped3A : memref<!tpu.dma_semaphore, #tpu.memory_space<semaphore_mem>>) src(%dma_wait3A_98 : memref<624x64xf32, #tpu.memory_space<vmem_shared>>) dst(%dma_wait3A_96 : memref<624x64xf32, #tpu.memory_space<hbm>>)
        tpu.yield
      }) : () -> ()
    } else {
    }
    %eq3A_80 = arith.constant 15 : i32
    %eq3A_81 = arith.cmpi eq, %arg1, %eq3A_80 : i32
    %convert_element_type3A_82 = arith.extui %eq3A_81 : i1 to i32
    %cond3A_83 = arith.constant 0 : i32
    %cond3A_84 = arith.cmpi ne, %convert_element_type3A_82, %cond3A_83 : i32
    scf.if %cond3A_84 {
      "tpu.region"() ({
        %run_scoped3A = tpu.sem_alloc : memref<!tpu.dma_semaphore, #tpu.memory_space<semaphore_mem>>
        %dma_start3A_85 = arith.constant 9360 : i32
        %dma_start3A_86 = arith.constant 0 : i32
        %dma_start3A_87 = tpu.memref_slice %arg5[%arg0, %dma_start3A_85, %dma_start3A_86] : memref<2x10000x64xf32, #tpu.memory_space<hbm>> -> memref<1x640x64xf32, #tpu.memory_space<hbm>>
        %dma_start3A_88 = tpu.memref_squeeze %dma_start3A_87 : memref<1x640x64xf32, #tpu.memory_space<hbm>> -> memref<640x64xf32, #tpu.memory_space<hbm>>
        %dma_start3A_89 = arith.constant 9360 : i32
        %dma_start3A_90 = arith.constant 0 : i32
        %dma_start3A_91 = tpu.memref_slice %arg12[%dma_start3A_89, %dma_start3A_90] : memref<10248x64xf32, #tpu.memory_space<vmem_shared>> -> memref<640x64xf32, #tpu.memory_space<vmem_shared>>
        tpu.enqueue_dma source(%dma_start3A_91 : memref<640x64xf32, #tpu.memory_space<vmem_shared>>) target(%dma_start3A_88 : memref<640x64xf32, #tpu.memory_space<hbm>>) target_semaphore(%run_scoped3A : memref<!tpu.dma_semaphore, #tpu.memory_space<semaphore_mem>>)
        %dma_wait3A_92 = arith.constant 9360 : i32
        %dma_wait3A_93 = arith.constant 0 : i32
        %dma_wait3A_94 = tpu.memref_slice %arg5[%arg0, %dma_wait3A_92, %dma_wait3A_93] : memref<2x10000x64xf32, #tpu.memory_space<hbm>> -> memref<1x640x64xf32, #tpu.memory_space<hbm>>
        %dma_wait3A_95 = tpu.memref_squeeze %dma_wait3A_94 : memref<1x640x64xf32, #tpu.memory_space<hbm>> -> memref<640x64xf32, #tpu.memory_space<hbm>>
        %dma_wait3A_96 = arith.constant 9360 : i32
        %dma_wait3A_97 = arith.constant 0 : i32
        %dma_wait3A_98 = tpu.memref_slice %arg12[%dma_wait3A_96, %dma_wait3A_97] : memref<10248x64xf32, #tpu.memory_space<vmem_shared>> -> memref<640x64xf32, #tpu.memory_space<vmem_shared>>
        tpu.wait_dma2 semaphore(%run_scoped3A : memref<!tpu.dma_semaphore, #tpu.memory_space<semaphore_mem>>) src(%dma_wait3A_98 : memref<640x64xf32, #tpu.memory_space<vmem_shared>>) dst(%dma_wait3A_95 : memref<640x64xf32, #tpu.memory_space<hbm>>)
        tpu.yield
      }) : () -> ()
    } else {
    }
    return
  }
}

#map = affine_map<(d0, d1) -> (0, 0)>
#map1 = affine_map<(d0, d1) -> (0, 0, 0)>
module attributes {stable_mosaic.version = 14 : i64} {
  func.func @_deg_kernel(%arg0: i32, %arg1: i32, %arg2: memref<2560x128xi32, #tpu.memory_space<hbm>>, %arg3: memref<2x1x10128xf32, #tpu.memory_space<hbm>>, %arg4: memref<80x128xi32, #tpu.memory_space<vmem>>, %arg5: memref<128xf32, #tpu.memory_space<vmem>>, %arg6: memref<10128xf32, #tpu.memory_space<vmem>>, %arg7: memref<10128xf32, #tpu.memory_space<vmem_shared>>, %arg8: memref<!tpu.dma_semaphore, #tpu.memory_space<semaphore_mem>>) attributes {dimension_semantics = [#tpu.dimension_semantics<core_parallel>, #tpu.dimension_semantics<subcore_parallel>], iteration_bounds = array<i64: 2, 16>, scalar_prefetch = 0 : i64, scratch_operands = 5 : i64, tpu.core_type = #tpu.core_type<sc_vector_subcore>, window_params = [{transform_indices = #map}, {transform_indices = #map1}]} {
    %mul3A = arith.constant 16 : i32
    %mul3A_0 = arith.muli %arg0, %mul3A : i32
    %add3A = arith.addi %mul3A_0, %arg1 : i32
    %mul3A_1 = arith.constant 80 : i32
    %mul3A_2 = arith.muli %add3A, %mul3A_1 : i32
    %dma_start3A = arith.constant 0 : i32
    %dma_start3A_3 = tpu.memref_slice %arg2[%mul3A_2, %dma_start3A] : memref<2560x128xi32, #tpu.memory_space<hbm>> -> memref<80x128xi32, #tpu.memory_space<hbm>>
    %dma_start3A_4 = arith.constant 0 : i32
    %dma_start3A_5 = tpu.memref_slice %arg2[%mul3A_2, %dma_start3A_4] : memref<2560x128xi32, #tpu.memory_space<hbm>> -> memref<80x128xi32, #tpu.memory_space<hbm>>
    tpu.enqueue_dma source(%dma_start3A_5 : memref<80x128xi32, #tpu.memory_space<hbm>>) target(%arg4 : memref<80x128xi32, #tpu.memory_space<vmem>>) target_semaphore(%arg8 : memref<!tpu.dma_semaphore, #tpu.memory_space<semaphore_mem>>)
    %broadcast_in_dim3A = arith.constant 1.000000e+00 : f32
    %broadcast_in_dim3A_6 = vector.broadcast %broadcast_in_dim3A : f32 to vector<16xf32>
    %swap3A = arith.constant 0 : index
    %swap3A_7 = tpu.vector_load %arg5[%swap3A] {strides = array<i32>} : memref<128xf32, #tpu.memory_space<vmem>>, vector<16xf32>,
    %swap3A_8 = vector.shape_cast %swap3A_7 : vector<16xf32> to vector<16xf32>
    %swap3A_9 = vector.shape_cast %broadcast_in_dim3A_6 : vector<16xf32> to vector<16xf32>
    tpu.vector_store %arg5[%swap3A], %swap3A_9 {strides = array<i32>} : memref<128xf32, #tpu.memory_space<vmem>>, vector<16xf32>,
    %broadcast_in_dim3A_10 = arith.constant 1.000000e+00 : f32
    %broadcast_in_dim3A_11 = vector.broadcast %broadcast_in_dim3A_10 : f32 to vector<16xf32>
    %swap3A_12 = arith.constant 16 : index
    %swap3A_13 = tpu.vector_load %arg5[%swap3A_12] {strides = array<i32>} : memref<128xf32, #tpu.memory_space<vmem>>, vector<16xf32>,
    %swap3A_14 = vector.shape_cast %swap3A_13 : vector<16xf32> to vector<16xf32>
    %swap3A_15 = vector.shape_cast %broadcast_in_dim3A_11 : vector<16xf32> to vector<16xf32>
    tpu.vector_store %arg5[%swap3A_12], %swap3A_15 {strides = array<i32>} : memref<128xf32, #tpu.memory_space<vmem>>, vector<16xf32>,
    %broadcast_in_dim3A_16 = arith.constant 1.000000e+00 : f32
    %broadcast_in_dim3A_17 = vector.broadcast %broadcast_in_dim3A_16 : f32 to vector<16xf32>
    %swap3A_18 = arith.constant 32 : index
    %swap3A_19 = tpu.vector_load %arg5[%swap3A_18] {strides = array<i32>} : memref<128xf32, #tpu.memory_space<vmem>>, vector<16xf32>,
    %swap3A_20 = vector.shape_cast %swap3A_19 : vector<16xf32> to vector<16xf32>
    %swap3A_21 = vector.shape_cast %broadcast_in_dim3A_17 : vector<16xf32> to vector<16xf32>
    tpu.vector_store %arg5[%swap3A_18], %swap3A_21 {strides = array<i32>} : memref<128xf32, #tpu.memory_space<vmem>>, vector<16xf32>,
    %broadcast_in_dim3A_22 = arith.constant 1.000000e+00 : f32
    %broadcast_in_dim3A_23 = vector.broadcast %broadcast_in_dim3A_22 : f32 to vector<16xf32>
    %swap3A_24 = arith.constant 48 : index
    %swap3A_25 = tpu.vector_load %arg5[%swap3A_24] {strides = array<i32>} : memref<128xf32, #tpu.memory_space<vmem>>, vector<16xf32>,
    %swap3A_26 = vector.shape_cast %swap3A_25 : vector<16xf32> to vector<16xf32>
    %swap3A_27 = vector.shape_cast %broadcast_in_dim3A_23 : vector<16xf32> to vector<16xf32>
    tpu.vector_store %arg5[%swap3A_24], %swap3A_27 {strides = array<i32>} : memref<128xf32, #tpu.memory_space<vmem>>, vector<16xf32>,
    %broadcast_in_dim3A_28 = arith.constant 1.000000e+00 : f32
    %broadcast_in_dim3A_29 = vector.broadcast %broadcast_in_dim3A_28 : f32 to vector<16xf32>
    %swap3A_30 = arith.constant 64 : index
    %swap3A_31 = tpu.vector_load %arg5[%swap3A_30] {strides = array<i32>} : memref<128xf32, #tpu.memory_space<vmem>>, vector<16xf32>,
    %swap3A_32 = vector.shape_cast %swap3A_31 : vector<16xf32> to vector<16xf32>
    %swap3A_33 = vector.shape_cast %broadcast_in_dim3A_29 : vector<16xf32> to vector<16xf32>
    tpu.vector_store %arg5[%swap3A_30], %swap3A_33 {strides = array<i32>} : memref<128xf32, #tpu.memory_space<vmem>>, vector<16xf32>,
    %broadcast_in_dim3A_34 = arith.constant 1.000000e+00 : f32
    %broadcast_in_dim3A_35 = vector.broadcast %broadcast_in_dim3A_34 : f32 to vector<16xf32>
    %swap3A_36 = arith.constant 80 : index
    %swap3A_37 = tpu.vector_load %arg5[%swap3A_36] {strides = array<i32>} : memref<128xf32, #tpu.memory_space<vmem>>, vector<16xf32>,
    %swap3A_38 = vector.shape_cast %swap3A_37 : vector<16xf32> to vector<16xf32>
    %swap3A_39 = vector.shape_cast %broadcast_in_dim3A_35 : vector<16xf32> to vector<16xf32>
    tpu.vector_store %arg5[%swap3A_36], %swap3A_39 {strides = array<i32>} : memref<128xf32, #tpu.memory_space<vmem>>, vector<16xf32>,
    %broadcast_in_dim3A_40 = arith.constant 1.000000e+00 : f32
    %broadcast_in_dim3A_41 = vector.broadcast %broadcast_in_dim3A_40 : f32 to vector<16xf32>
    %swap3A_42 = arith.constant 96 : index
    %swap3A_43 = tpu.vector_load %arg5[%swap3A_42] {strides = array<i32>} : memref<128xf32, #tpu.memory_space<vmem>>, vector<16xf32>,
    %swap3A_44 = vector.shape_cast %swap3A_43 : vector<16xf32> to vector<16xf32>
    %swap3A_45 = vector.shape_cast %broadcast_in_dim3A_41 : vector<16xf32> to vector<16xf32>
    tpu.vector_store %arg5[%swap3A_42], %swap3A_45 {strides = array<i32>} : memref<128xf32, #tpu.memory_space<vmem>>, vector<16xf32>,
    %broadcast_in_dim3A_46 = arith.constant 1.000000e+00 : f32
    %broadcast_in_dim3A_47 = vector.broadcast %broadcast_in_dim3A_46 : f32 to vector<16xf32>
    %swap3A_48 = arith.constant 112 : index
    %swap3A_49 = tpu.vector_load %arg5[%swap3A_48] {strides = array<i32>} : memref<128xf32, #tpu.memory_space<vmem>>, vector<16xf32>,
    %swap3A_50 = vector.shape_cast %swap3A_49 : vector<16xf32> to vector<16xf32>
    %swap3A_51 = vector.shape_cast %broadcast_in_dim3A_47 : vector<16xf32> to vector<16xf32>
    tpu.vector_store %arg5[%swap3A_48], %swap3A_51 {strides = array<i32>} : memref<128xf32, #tpu.memory_space<vmem>>, vector<16xf32>,
    %eq3A = arith.constant 0 : i32
    %eq3A_52 = arith.cmpi eq, %arg1, %eq3A : i32
    %convert_element_type3A = arith.extui %eq3A_52 : i1 to i32
    %cond3A = arith.constant 0 : i32
    %cond3A_53 = arith.cmpi ne, %convert_element_type3A, %cond3A : i32
    scf.if %cond3A_53 {
      %scan3A_69 = arith.constant 0 : i32
      %scan3A_70 = arith.constant 0 : i32
      %scan3A_71 = arith.constant 633 : i32
      %scan3A_72 = arith.addi %scan3A_70, %scan3A_71 : i32
      %scan3A_73 = arith.constant 1 : i32
      %scan3A_74 = scf.for %scan3A_76 = %scan3A_70 to %scan3A_72 step %scan3A_73 iter_args(%scan3A_77 = %scan3A_69) -> (i32)  : i32 {
        %broadcast_in_dim3A_78 = arith.constant 0.000000e+00 : f32
        %broadcast_in_dim3A_79 = vector.broadcast %broadcast_in_dim3A_78 : f32 to vector<16xf32>
        %mul3A_80 = arith.constant 16 : i32
        %mul3A_81 = arith.muli %scan3A_76, %mul3A_80 : i32
        %swap3A_82 = arith.index_cast %mul3A_81 : i32 to index
        %swap3A_83 = tpu.vector_load %arg6[%swap3A_82] {strides = array<i32>} : memref<10128xf32, #tpu.memory_space<vmem>>, vector<16xf32>,
        %swap3A_84 = vector.shape_cast %swap3A_83 : vector<16xf32> to vector<16xf32>
        %swap3A_85 = vector.shape_cast %broadcast_in_dim3A_79 : vector<16xf32> to vector<16xf32>
        tpu.vector_store %arg6[%swap3A_82], %swap3A_85 {strides = array<i32>} : memref<10128xf32, #tpu.memory_space<vmem>>, vector<16xf32>,
        %scan3A_86 = arith.constant 0 : i32
        scf.yield %scan3A_86 : i32
      }
      %scan3A_75 = arith.constant 633 : i32
      "tpu.region"() ({
        %run_scoped3A = tpu.sem_alloc : memref<!tpu.dma_semaphore, #tpu.memory_space<semaphore_mem>>
        tpu.enqueue_dma source(%arg6 : memref<10128xf32, #tpu.memory_space<vmem>>) target(%arg7 : memref<10128xf32, #tpu.memory_space<vmem_shared>>) target_semaphore(%run_scoped3A : memref<!tpu.dma_semaphore, #tpu.memory_space<semaphore_mem>>)
        tpu.wait_dma2 semaphore(%run_scoped3A : memref<!tpu.dma_semaphore, #tpu.memory_space<semaphore_mem>>) src(%arg6 : memref<10128xf32, #tpu.memory_space<vmem>>) dst(%arg7 : memref<10128xf32, #tpu.memory_space<vmem_shared>>)
        tpu.yield
      }) : () -> ()
    } else {
    }
    %dma_wait3A = arith.constant 0 : i32
    %dma_wait3A_54 = tpu.memref_slice %arg2[%mul3A_2, %dma_wait3A] : memref<2560x128xi32, #tpu.memory_space<hbm>> -> memref<80x128xi32, #tpu.memory_space<hbm>>
    %dma_wait3A_55 = arith.constant 0 : i32
    %dma_wait3A_56 = tpu.memref_slice %arg2[%mul3A_2, %dma_wait3A_55] : memref<2560x128xi32, #tpu.memory_space<hbm>> -> memref<80x128xi32, #tpu.memory_space<hbm>>
    tpu.wait_dma2 semaphore(%arg8 : memref<!tpu.dma_semaphore, #tpu.memory_space<semaphore_mem>>) src(%dma_wait3A_56 : memref<80x128xi32, #tpu.memory_space<hbm>>) dst(%arg4 : memref<80x128xi32, #tpu.memory_space<vmem>>)
    %barrier3A = arith.constant 0 : index
    tpu.barrier barrier_id(%barrier3A)
    %scan3A = arith.constant 0 : i32
    %scan3A_57 = arith.constant 0 : i32
    %scan3A_58 = arith.constant 80 : i32
    %scan3A_59 = arith.addi %scan3A_57, %scan3A_58 : i32
    %scan3A_60 = arith.constant 1 : i32
    %scan3A_61 = scf.for %scan3A_69 = %scan3A_57 to %scan3A_59 step %scan3A_60 iter_args(%scan3A_70 = %scan3A) -> (i32)  : i32 {
      "tpu.region"() ({
        %run_scoped3A = tpu.sem_alloc : memref<!tpu.dma_semaphore, #tpu.memory_space<semaphore_mem>>
        %dma_start3A_72 = arith.constant 0 : i32
        %dma_start3A_73 = tpu.memref_slice %arg4[%scan3A_69, %dma_start3A_72] : memref<80x128xi32, #tpu.memory_space<vmem>> -> memref<1x128xi32, #tpu.memory_space<vmem>>
        %dma_start3A_74 = tpu.memref_squeeze %dma_start3A_73 : memref<1x128xi32, #tpu.memory_space<vmem>> -> memref<128xi32, #tpu.memory_space<vmem>>
        %dma_start3A_75 = arith.constant 0 : i32
        %dma_start3A_76 = tpu.memref_slice %arg7[%dma_start3A_75] : memref<10128xf32, #tpu.memory_space<vmem_shared>> -> memref<10128xf32, #tpu.memory_space<vmem_shared>>
        tpu.enqueue_indirect_dma source(%arg5 : memref<128xf32, #tpu.memory_space<vmem>>) target(%dma_start3A_76 : memref<10128xf32, #tpu.memory_space<vmem_shared>>) offsets(%dma_start3A_74 : memref<128xi32, #tpu.memory_space<vmem>>) semaphore(%run_scoped3A : memref<!tpu.dma_semaphore, #tpu.memory_space<semaphore_mem>>) {add = true}
        %dma_wait3A_77 = arith.constant 0 : i32
        %dma_wait3A_78 = tpu.memref_slice %arg4[%scan3A_69, %dma_wait3A_77] : memref<80x128xi32, #tpu.memory_space<vmem>> -> memref<1x128xi32, #tpu.memory_space<vmem>>
        %dma_wait3A_79 = tpu.memref_squeeze %dma_wait3A_78 : memref<1x128xi32, #tpu.memory_space<vmem>> -> memref<128xi32, #tpu.memory_space<vmem>>
        %dma_wait3A_80 = arith.constant 0 : i32
        %dma_wait3A_81 = tpu.memref_slice %arg7[%dma_wait3A_80] : memref<10128xf32, #tpu.memory_space<vmem_shared>> -> memref<10128xf32, #tpu.memory_space<vmem_shared>>
        tpu.wait_indirect_dma semaphore(%run_scoped3A : memref<!tpu.dma_semaphore, #tpu.memory_space<semaphore_mem>>) src(%arg5 : memref<128xf32, #tpu.memory_space<vmem>>) dst(%dma_wait3A_81 : memref<10128xf32, #tpu.memory_space<vmem_shared>>)
        tpu.yield
      }) : () -> ()
      %scan3A_71 = arith.constant 0 : i32
      scf.yield %scan3A_71 : i32
    }
    %scan3A_62 = arith.constant 80 : i32
    %barrier3A_63 = arith.constant 0 : index
    tpu.barrier barrier_id(%barrier3A_63)
    %eq3A_64 = arith.constant 0 : i32
    %eq3A_65 = arith.cmpi eq, %arg1, %eq3A_64 : i32
    %convert_element_type3A_66 = arith.extui %eq3A_65 : i1 to i32
    %cond3A_67 = arith.constant 0 : i32
    %cond3A_68 = arith.cmpi ne, %convert_element_type3A_66, %cond3A_67 : i32
    scf.if %cond3A_68 {
      %run_scoped3A = arith.constant 0 : i32
      "tpu.region"() ({
        %run_scoped3A_69 = tpu.sem_alloc : memref<!tpu.dma_semaphore, #tpu.memory_space<semaphore_mem>>
        %dma_start3A_70 = arith.constant 0 : i32
        %dma_start3A_71 = tpu.memref_slice %arg3[%arg0, %run_scoped3A, %dma_start3A_70] : memref<2x1x10128xf32, #tpu.memory_space<hbm>> -> memref<1x1x10128xf32, #tpu.memory_space<hbm>>
        %dma_start3A_72 = tpu.memref_squeeze %dma_start3A_71 : memref<1x1x10128xf32, #tpu.memory_space<hbm>> -> memref<10128xf32, #tpu.memory_space<hbm>>
        tpu.enqueue_dma source(%arg7 : memref<10128xf32, #tpu.memory_space<vmem_shared>>) target(%dma_start3A_72 : memref<10128xf32, #tpu.memory_space<hbm>>) target_semaphore(%run_scoped3A_69 : memref<!tpu.dma_semaphore, #tpu.memory_space<semaphore_mem>>)
        %dma_wait3A_73 = arith.constant 0 : i32
        %dma_wait3A_74 = tpu.memref_slice %arg3[%arg0, %run_scoped3A, %dma_wait3A_73] : memref<2x1x10128xf32, #tpu.memory_space<hbm>> -> memref<1x1x10128xf32, #tpu.memory_space<hbm>>
        %dma_wait3A_75 = tpu.memref_squeeze %dma_wait3A_74 : memref<1x1x10128xf32, #tpu.memory_space<hbm>> -> memref<10128xf32, #tpu.memory_space<hbm>>
        tpu.wait_dma2 semaphore(%run_scoped3A_69 : memref<!tpu.dma_semaphore, #tpu.memory_space<semaphore_mem>>) src(%arg7 : memref<10128xf32, #tpu.memory_space<vmem_shared>>) dst(%dma_wait3A_75 : memref<10128xf32, #tpu.memory_space<hbm>>)
        tpu.yield
      }) : () -> ()
    } else {
    }
    return
  }
}

#map = affine_map<(d0, d1) -> (0, 0)>
#map1 = affine_map<(d0, d1) -> (0, 0, 0)>
module attributes {stable_mosaic.version = 14 : i64} {
  func.func @_prop_kernel(%arg0: i32, %arg1: i32, %arg2: memref<20000x64xf32, #tpu.memory_space<hbm>>, %arg3: memref<2x2560x128xi32, #tpu.memory_space<hbm>>, %arg4: memref<2560x128xi32, #tpu.memory_space<hbm>>, %arg5: memref<2x10000x64xf32, #tpu.memory_space<hbm>>, %arg6: memref<160x128xi32, #tpu.memory_space<vmem>>, %arg7: memref<160x128xi32, #tpu.memory_space<vmem>>, %arg8: memref<128x64xf32, #tpu.memory_space<vmem>>, %arg9: memref<128x64xf32, #tpu.memory_space<vmem>>, %arg10: memref<128x64xf32, #tpu.memory_space<vmem>>, %arg11: memref<128x64xf32, #tpu.memory_space<vmem>>, %arg12: memref<10248x64xf32, #tpu.memory_space<vmem_shared>>, %arg13: memref<!tpu.dma_semaphore, #tpu.memory_space<semaphore_mem>>, %arg14: memref<!tpu.dma_semaphore, #tpu.memory_space<semaphore_mem>>, %arg15: memref<!tpu.dma_semaphore, #tpu.memory_space<semaphore_mem>>, %arg16: memref<!tpu.dma_semaphore, #tpu.memory_space<semaphore_mem>>, %arg17: memref<!tpu.dma_semaphore, #tpu.memory_space<semaphore_mem>>, %arg18: memref<!tpu.dma_semaphore, #tpu.memory_space<semaphore_mem>>, %arg19: memref<!tpu.dma_semaphore, #tpu.memory_space<semaphore_mem>>, %arg20: memref<!tpu.dma_semaphore, #tpu.memory_space<semaphore_mem>>, %arg21: memref<!tpu.dma_semaphore, #tpu.memory_space<semaphore_mem>>) attributes {dimension_semantics = [#tpu.dimension_semantics<core_parallel>, #tpu.dimension_semantics<subcore_parallel>], iteration_bounds = array<i64: 2, 16>, scalar_prefetch = 0 : i64, scratch_operands = 16 : i64, tpu.core_type = #tpu.core_type<sc_vector_subcore>, window_params = [{transform_indices = #map}, {transform_indices = #map1}, {transform_indices = #map}, {transform_indices = #map1}]} {
    %mul3A = arith.constant 160 : i32
    %mul3A_0 = arith.muli %arg1, %mul3A : i32
    %dma_start3A = arith.constant 0 : i32
    %dma_start3A_1 = tpu.memref_slice %arg3[%arg0, %mul3A_0, %dma_start3A] : memref<2x2560x128xi32, #tpu.memory_space<hbm>> -> memref<1x160x128xi32, #tpu.memory_space<hbm>>
    %dma_start3A_2 = tpu.memref_squeeze %dma_start3A_1 : memref<1x160x128xi32, #tpu.memory_space<hbm>> -> memref<160x128xi32, #tpu.memory_space<hbm>>
    %dma_start3A_3 = arith.constant 0 : i32
    %dma_start3A_4 = tpu.memref_slice %arg3[%arg0, %mul3A_0, %dma_start3A_3] : memref<2x2560x128xi32, #tpu.memory_space<hbm>> -> memref<1x160x128xi32, #tpu.memory_space<hbm>>
    %dma_start3A_5 = tpu.memref_squeeze %dma_start3A_4 : memref<1x160x128xi32, #tpu.memory_space<hbm>> -> memref<160x128xi32, #tpu.memory_space<hbm>>
    tpu.enqueue_dma source(%dma_start3A_5 : memref<160x128xi32, #tpu.memory_space<hbm>>) target(%arg6 : memref<160x128xi32, #tpu.memory_space<vmem>>) target_semaphore(%arg13 : memref<!tpu.dma_semaphore, #tpu.memory_space<semaphore_mem>>)
    %mul3A_6 = arith.constant 160 : i32
    %mul3A_7 = arith.muli %arg1, %mul3A_6 : i32
    %dma_start3A_8 = arith.constant 0 : i32
    %dma_start3A_9 = tpu.memref_slice %arg4[%mul3A_7, %dma_start3A_8] : memref<2560x128xi32, #tpu.memory_space<hbm>> -> memref<160x128xi32, #tpu.memory_space<hbm>>
    %dma_start3A_10 = arith.constant 0 : i32
    %dma_start3A_11 = tpu.memref_slice %arg4[%mul3A_7, %dma_start3A_10] : memref<2560x128xi32, #tpu.memory_space<hbm>> -> memref<160x128xi32, #tpu.memory_space<hbm>>
    tpu.enqueue_dma source(%dma_start3A_11 : memref<160x128xi32, #tpu.memory_space<hbm>>) target(%arg7 : memref<160x128xi32, #tpu.memory_space<vmem>>) target_semaphore(%arg13 : memref<!tpu.dma_semaphore, #tpu.memory_space<semaphore_mem>>)
    %scan3A = arith.constant 0 : i32
    %scan3A_12 = arith.constant 0 : i32
    %scan3A_13 = arith.constant 128 : i32
    %scan3A_14 = arith.addi %scan3A_12, %scan3A_13 : i32
    %scan3A_15 = arith.constant 1 : i32
    %scan3A_16 = scf.for %scan3A_85 = %scan3A_12 to %scan3A_14 step %scan3A_15 iter_args(%scan3A_86 = %scan3A) -> (i32)  : i32 {
      %broadcast_in_dim3A = arith.constant 0.000000e+00 : f32
      %broadcast_in_dim3A_87 = vector.broadcast %broadcast_in_dim3A : f32 to vector<16xf32>
      %swap3A = arith.index_cast %scan3A_85 : i32 to index
      %swap3A_88 = arith.constant 0 : index
      %swap3A_89 = tpu.vector_load %arg8[%swap3A, %swap3A_88] {strides = array<i32>} : memref<128x64xf32, #tpu.memory_space<vmem>>, vector<1x16xf32>,
      %swap3A_90 = vector.shape_cast %swap3A_89 : vector<1x16xf32> to vector<16xf32>
      %swap3A_91 = vector.shape_cast %broadcast_in_dim3A_87 : vector<16xf32> to vector<1x16xf32>
      tpu.vector_store %arg8[%swap3A, %swap3A_88], %swap3A_91 {strides = array<i32>} : memref<128x64xf32, #tpu.memory_space<vmem>>, vector<1x16xf32>,
      %broadcast_in_dim3A_92 = arith.constant 0.000000e+00 : f32
      %broadcast_in_dim3A_93 = vector.broadcast %broadcast_in_dim3A_92 : f32 to vector<16xf32>
      %swap3A_94 = arith.index_cast %scan3A_85 : i32 to index
      %swap3A_95 = arith.constant 16 : index
      %swap3A_96 = tpu.vector_load %arg8[%swap3A_94, %swap3A_95] {strides = array<i32>} : memref<128x64xf32, #tpu.memory_space<vmem>>, vector<1x16xf32>,
      %swap3A_97 = vector.shape_cast %swap3A_96 : vector<1x16xf32> to vector<16xf32>
      %swap3A_98 = vector.shape_cast %broadcast_in_dim3A_93 : vector<16xf32> to vector<1x16xf32>
      tpu.vector_store %arg8[%swap3A_94, %swap3A_95], %swap3A_98 {strides = array<i32>} : memref<128x64xf32, #tpu.memory_space<vmem>>, vector<1x16xf32>,
      %broadcast_in_dim3A_99 = arith.constant 0.000000e+00 : f32
      %broadcast_in_dim3A_100 = vector.broadcast %broadcast_in_dim3A_99 : f32 to vector<16xf32>
      %swap3A_101 = arith.index_cast %scan3A_85 : i32 to index
      %swap3A_102 = arith.constant 32 : index
      %swap3A_103 = tpu.vector_load %arg8[%swap3A_101, %swap3A_102] {strides = array<i32>} : memref<128x64xf32, #tpu.memory_space<vmem>>, vector<1x16xf32>,
      %swap3A_104 = vector.shape_cast %swap3A_103 : vector<1x16xf32> to vector<16xf32>
      %swap3A_105 = vector.shape_cast %broadcast_in_dim3A_100 : vector<16xf32> to vector<1x16xf32>
      tpu.vector_store %arg8[%swap3A_101, %swap3A_102], %swap3A_105 {strides = array<i32>} : memref<128x64xf32, #tpu.memory_space<vmem>>, vector<1x16xf32>,
      %broadcast_in_dim3A_106 = arith.constant 0.000000e+00 : f32
      %broadcast_in_dim3A_107 = vector.broadcast %broadcast_in_dim3A_106 : f32 to vector<16xf32>
      %swap3A_108 = arith.index_cast %scan3A_85 : i32 to index
      %swap3A_109 = arith.constant 48 : index
      %swap3A_110 = tpu.vector_load %arg8[%swap3A_108, %swap3A_109] {strides = array<i32>} : memref<128x64xf32, #tpu.memory_space<vmem>>, vector<1x16xf32>,
      %swap3A_111 = vector.shape_cast %swap3A_110 : vector<1x16xf32> to vector<16xf32>
      %swap3A_112 = vector.shape_cast %broadcast_in_dim3A_107 : vector<16xf32> to vector<1x16xf32>
      tpu.vector_store %arg8[%swap3A_108, %swap3A_109], %swap3A_112 {strides = array<i32>} : memref<128x64xf32, #tpu.memory_space<vmem>>, vector<1x16xf32>,
      %scan3A_113 = arith.constant 0 : i32
      scf.yield %scan3A_113 : i32
    }
    %scan3A_17 = arith.constant 128 : i32
    %mul3A_18 = arith.constant 632 : i32
    %mul3A_19 = arith.muli %arg1, %mul3A_18 : i32
    %add3A = arith.constant 0 : i32
    %add3A_20 = arith.addi %mul3A_19, %add3A : i32
    "tpu.region"() ({
      %run_scoped3A = tpu.sem_alloc : memref<!tpu.dma_semaphore, #tpu.memory_space<semaphore_mem>>
      %dma_start3A_85 = arith.constant 0 : i32
      %dma_start3A_86 = tpu.memref_slice %arg12[%add3A_20, %dma_start3A_85] : memref<10248x64xf32, #tpu.memory_space<vmem_shared>> -> memref<128x64xf32, #tpu.memory_space<vmem_shared>>
      %dma_start3A_87 = arith.constant 0 : i32
      %dma_start3A_88 = tpu.memref_slice %arg12[%add3A_20, %dma_start3A_87] : memref<10248x64xf32, #tpu.memory_space<vmem_shared>> -> memref<128x64xf32, #tpu.memory_space<vmem_shared>>
      tpu.enqueue_dma source(%arg8 : memref<128x64xf32, #tpu.memory_space<vmem>>) target(%dma_start3A_88 : memref<128x64xf32, #tpu.memory_space<vmem_shared>>) target_semaphore(%run_scoped3A : memref<!tpu.dma_semaphore, #tpu.memory_space<semaphore_mem>>)
      %dma_wait3A_89 = arith.constant 0 : i32
      %dma_wait3A_90 = tpu.memref_slice %arg12[%add3A_20, %dma_wait3A_89] : memref<10248x64xf32, #tpu.memory_space<vmem_shared>> -> memref<128x64xf32, #tpu.memory_space<vmem_shared>>
      %dma_wait3A_91 = arith.constant 0 : i32
      %dma_wait3A_92 = tpu.memref_slice %arg12[%add3A_20, %dma_wait3A_91] : memref<10248x64xf32, #tpu.memory_space<vmem_shared>> -> memref<128x64xf32, #tpu.memory_space<vmem_shared>>
      tpu.wait_dma2 semaphore(%run_scoped3A : memref<!tpu.dma_semaphore, #tpu.memory_space<semaphore_mem>>) src(%arg8 : memref<128x64xf32, #tpu.memory_space<vmem>>) dst(%dma_wait3A_92 : memref<128x64xf32, #tpu.memory_space<vmem_shared>>)
      tpu.yield
    }) : () -> ()
    %add3A_21 = arith.constant 128 : i32
    %add3A_22 = arith.addi %mul3A_19, %add3A_21 : i32
    "tpu.region"() ({
      %run_scoped3A = tpu.sem_alloc : memref<!tpu.dma_semaphore, #tpu.memory_space<semaphore_mem>>
      %dma_start3A_85 = arith.constant 0 : i32
      %dma_start3A_86 = tpu.memref_slice %arg12[%add3A_22, %dma_start3A_85] : memref<10248x64xf32, #tpu.memory_space<vmem_shared>> -> memref<128x64xf32, #tpu.memory_space<vmem_shared>>
      %dma_start3A_87 = arith.constant 0 : i32
      %dma_start3A_88 = tpu.memref_slice %arg12[%add3A_22, %dma_start3A_87] : memref<10248x64xf32, #tpu.memory_space<vmem_shared>> -> memref<128x64xf32, #tpu.memory_space<vmem_shared>>
      tpu.enqueue_dma source(%arg8 : memref<128x64xf32, #tpu.memory_space<vmem>>) target(%dma_start3A_88 : memref<128x64xf32, #tpu.memory_space<vmem_shared>>) target_semaphore(%run_scoped3A : memref<!tpu.dma_semaphore, #tpu.memory_space<semaphore_mem>>)
      %dma_wait3A_89 = arith.constant 0 : i32
      %dma_wait3A_90 = tpu.memref_slice %arg12[%add3A_22, %dma_wait3A_89] : memref<10248x64xf32, #tpu.memory_space<vmem_shared>> -> memref<128x64xf32, #tpu.memory_space<vmem_shared>>
      %dma_wait3A_91 = arith.constant 0 : i32
      %dma_wait3A_92 = tpu.memref_slice %arg12[%add3A_22, %dma_wait3A_91] : memref<10248x64xf32, #tpu.memory_space<vmem_shared>> -> memref<128x64xf32, #tpu.memory_space<vmem_shared>>
      tpu.wait_dma2 semaphore(%run_scoped3A : memref<!tpu.dma_semaphore, #tpu.memory_space<semaphore_mem>>) src(%arg8 : memref<128x64xf32, #tpu.memory_space<vmem>>) dst(%dma_wait3A_92 : memref<128x64xf32, #tpu.memory_space<vmem_shared>>)
      tpu.yield
    }) : () -> ()
    %add3A_23 = arith.constant 256 : i32
    %add3A_24 = arith.addi %mul3A_19, %add3A_23 : i32
    "tpu.region"() ({
      %run_scoped3A = tpu.sem_alloc : memref<!tpu.dma_semaphore, #tpu.memory_space<semaphore_mem>>
      %dma_start3A_85 = arith.constant 0 : i32
      %dma_start3A_86 = tpu.memref_slice %arg12[%add3A_24, %dma_start3A_85] : memref<10248x64xf32, #tpu.memory_space<vmem_shared>> -> memref<128x64xf32, #tpu.memory_space<vmem_shared>>
      %dma_start3A_87 = arith.constant 0 : i32
      %dma_start3A_88 = tpu.memref_slice %arg12[%add3A_24, %dma_start3A_87] : memref<10248x64xf32, #tpu.memory_space<vmem_shared>> -> memref<128x64xf32, #tpu.memory_space<vmem_shared>>
      tpu.enqueue_dma source(%arg8 : memref<128x64xf32, #tpu.memory_space<vmem>>) target(%dma_start3A_88 : memref<128x64xf32, #tpu.memory_space<vmem_shared>>) target_semaphore(%run_scoped3A : memref<!tpu.dma_semaphore, #tpu.memory_space<semaphore_mem>>)
      %dma_wait3A_89 = arith.constant 0 : i32
      %dma_wait3A_90 = tpu.memref_slice %arg12[%add3A_24, %dma_wait3A_89] : memref<10248x64xf32, #tpu.memory_space<vmem_shared>> -> memref<128x64xf32, #tpu.memory_space<vmem_shared>>
      %dma_wait3A_91 = arith.constant 0 : i32
      %dma_wait3A_92 = tpu.memref_slice %arg12[%add3A_24, %dma_wait3A_91] : memref<10248x64xf32, #tpu.memory_space<vmem_shared>> -> memref<128x64xf32, #tpu.memory_space<vmem_shared>>
      tpu.wait_dma2 semaphore(%run_scoped3A : memref<!tpu.dma_semaphore, #tpu.memory_space<semaphore_mem>>) src(%arg8 : memref<128x64xf32, #tpu.memory_space<vmem>>) dst(%dma_wait3A_92 : memref<128x64xf32, #tpu.memory_space<vmem_shared>>)
      tpu.yield
    }) : () -> ()
    %add3A_25 = arith.constant 384 : i32
    %add3A_26 = arith.addi %mul3A_19, %add3A_25 : i32
    "tpu.region"() ({
      %run_scoped3A = tpu.sem_alloc : memref<!tpu.dma_semaphore, #tpu.memory_space<semaphore_mem>>
      %dma_start3A_85 = arith.constant 0 : i32
      %dma_start3A_86 = tpu.memref_slice %arg12[%add3A_26, %dma_start3A_85] : memref<10248x64xf32, #tpu.memory_space<vmem_shared>> -> memref<128x64xf32, #tpu.memory_space<vmem_shared>>
      %dma_start3A_87 = arith.constant 0 : i32
      %dma_start3A_88 = tpu.memref_slice %arg12[%add3A_26, %dma_start3A_87] : memref<10248x64xf32, #tpu.memory_space<vmem_shared>> -> memref<128x64xf32, #tpu.memory_space<vmem_shared>>
      tpu.enqueue_dma source(%arg8 : memref<128x64xf32, #tpu.memory_space<vmem>>) target(%dma_start3A_88 : memref<128x64xf32, #tpu.memory_space<vmem_shared>>) target_semaphore(%run_scoped3A : memref<!tpu.dma_semaphore, #tpu.memory_space<semaphore_mem>>)
      %dma_wait3A_89 = arith.constant 0 : i32
      %dma_wait3A_90 = tpu.memref_slice %arg12[%add3A_26, %dma_wait3A_89] : memref<10248x64xf32, #tpu.memory_space<vmem_shared>> -> memref<128x64xf32, #tpu.memory_space<vmem_shared>>
      %dma_wait3A_91 = arith.constant 0 : i32
      %dma_wait3A_92 = tpu.memref_slice %arg12[%add3A_26, %dma_wait3A_91] : memref<10248x64xf32, #tpu.memory_space<vmem_shared>> -> memref<128x64xf32, #tpu.memory_space<vmem_shared>>
      tpu.wait_dma2 semaphore(%run_scoped3A : memref<!tpu.dma_semaphore, #tpu.memory_space<semaphore_mem>>) src(%arg8 : memref<128x64xf32, #tpu.memory_space<vmem>>) dst(%dma_wait3A_92 : memref<128x64xf32, #tpu.memory_space<vmem_shared>>)
      tpu.yield
    }) : () -> ()
    %add3A_27 = arith.constant 512 : i32
    %add3A_28 = arith.addi %mul3A_19, %add3A_27 : i32
    "tpu.region"() ({
      %run_scoped3A = tpu.sem_alloc : memref<!tpu.dma_semaphore, #tpu.memory_space<semaphore_mem>>
      %dma_start3A_85 = arith.constant 0 : i32
      %dma_start3A_86 = tpu.memref_slice %arg12[%add3A_28, %dma_start3A_85] : memref<10248x64xf32, #tpu.memory_space<vmem_shared>> -> memref<128x64xf32, #tpu.memory_space<vmem_shared>>
      %dma_start3A_87 = arith.constant 0 : i32
      %dma_start3A_88 = tpu.memref_slice %arg12[%add3A_28, %dma_start3A_87] : memref<10248x64xf32, #tpu.memory_space<vmem_shared>> -> memref<128x64xf32, #tpu.memory_space<vmem_shared>>
      tpu.enqueue_dma source(%arg8 : memref<128x64xf32, #tpu.memory_space<vmem>>) target(%dma_start3A_88 : memref<128x64xf32, #tpu.memory_space<vmem_shared>>) target_semaphore(%run_scoped3A : memref<!tpu.dma_semaphore, #tpu.memory_space<semaphore_mem>>)
      %dma_wait3A_89 = arith.constant 0 : i32
      %dma_wait3A_90 = tpu.memref_slice %arg12[%add3A_28, %dma_wait3A_89] : memref<10248x64xf32, #tpu.memory_space<vmem_shared>> -> memref<128x64xf32, #tpu.memory_space<vmem_shared>>
      %dma_wait3A_91 = arith.constant 0 : i32
      %dma_wait3A_92 = tpu.memref_slice %arg12[%add3A_28, %dma_wait3A_91] : memref<10248x64xf32, #tpu.memory_space<vmem_shared>> -> memref<128x64xf32, #tpu.memory_space<vmem_shared>>
      tpu.wait_dma2 semaphore(%run_scoped3A : memref<!tpu.dma_semaphore, #tpu.memory_space<semaphore_mem>>) src(%arg8 : memref<128x64xf32, #tpu.memory_space<vmem>>) dst(%dma_wait3A_92 : memref<128x64xf32, #tpu.memory_space<vmem_shared>>)
      tpu.yield
    }) : () -> ()
    %eq3A = arith.constant 15 : i32
    %eq3A_29 = arith.cmpi eq, %arg1, %eq3A : i32
    %convert_element_type3A = arith.extui %eq3A_29 : i1 to i32
    %cond3A = arith.constant 0 : i32
    %cond3A_30 = arith.cmpi ne, %convert_element_type3A, %cond3A : i32
    scf.if %cond3A_30 {
      %add3A_85 = arith.constant 640 : i32
      %add3A_86 = arith.addi %mul3A_19, %add3A_85 : i32
      "tpu.region"() ({
        %run_scoped3A = tpu.sem_alloc : memref<!tpu.dma_semaphore, #tpu.memory_space<semaphore_mem>>
        %dma_start3A_87 = arith.constant 0 : i32
        %dma_start3A_88 = tpu.memref_slice %arg12[%add3A_86, %dma_start3A_87] : memref<10248x64xf32, #tpu.memory_space<vmem_shared>> -> memref<128x64xf32, #tpu.memory_space<vmem_shared>>
        %dma_start3A_89 = arith.constant 0 : i32
        %dma_start3A_90 = tpu.memref_slice %arg12[%add3A_86, %dma_start3A_89] : memref<10248x64xf32, #tpu.memory_space<vmem_shared>> -> memref<128x64xf32, #tpu.memory_space<vmem_shared>>
        tpu.enqueue_dma source(%arg8 : memref<128x64xf32, #tpu.memory_space<vmem>>) target(%dma_start3A_90 : memref<128x64xf32, #tpu.memory_space<vmem_shared>>) target_semaphore(%run_scoped3A : memref<!tpu.dma_semaphore, #tpu.memory_space<semaphore_mem>>)
        %dma_wait3A_91 = arith.constant 0 : i32
        %dma_wait3A_92 = tpu.memref_slice %arg12[%add3A_86, %dma_wait3A_91] : memref<10248x64xf32, #tpu.memory_space<vmem_shared>> -> memref<128x64xf32, #tpu.memory_space<vmem_shared>>
        %dma_wait3A_93 = arith.constant 0 : i32
        %dma_wait3A_94 = tpu.memref_slice %arg12[%add3A_86, %dma_wait3A_93] : memref<10248x64xf32, #tpu.memory_space<vmem_shared>> -> memref<128x64xf32, #tpu.memory_space<vmem_shared>>
        tpu.wait_dma2 semaphore(%run_scoped3A : memref<!tpu.dma_semaphore, #tpu.memory_space<semaphore_mem>>) src(%arg8 : memref<128x64xf32, #tpu.memory_space<vmem>>) dst(%dma_wait3A_94 : memref<128x64xf32, #tpu.memory_space<vmem_shared>>)
        tpu.yield
      }) : () -> ()
    } else {
    }
    %dma_wait3A = arith.constant 0 : i32
    %dma_wait3A_31 = tpu.memref_slice %arg3[%arg0, %mul3A_0, %dma_wait3A] : memref<2x2560x128xi32, #tpu.memory_space<hbm>> -> memref<1x160x128xi32, #tpu.memory_space<hbm>>
    %dma_wait3A_32 = tpu.memref_squeeze %dma_wait3A_31 : memref<1x160x128xi32, #tpu.memory_space<hbm>> -> memref<160x128xi32, #tpu.memory_space<hbm>>
    %dma_wait3A_33 = arith.constant 0 : i32
    %dma_wait3A_34 = tpu.memref_slice %arg3[%arg0, %mul3A_0, %dma_wait3A_33] : memref<2x2560x128xi32, #tpu.memory_space<hbm>> -> memref<1x160x128xi32, #tpu.memory_space<hbm>>
    %dma_wait3A_35 = tpu.memref_squeeze %dma_wait3A_34 : memref<1x160x128xi32, #tpu.memory_space<hbm>> -> memref<160x128xi32, #tpu.memory_space<hbm>>
    tpu.wait_dma2 semaphore(%arg13 : memref<!tpu.dma_semaphore, #tpu.memory_space<semaphore_mem>>) src(%dma_wait3A_35 : memref<160x128xi32, #tpu.memory_space<hbm>>) dst(%arg6 : memref<160x128xi32, #tpu.memory_space<vmem>>)
    %dma_wait3A_36 = arith.constant 0 : i32
    %dma_wait3A_37 = tpu.memref_slice %arg4[%mul3A_7, %dma_wait3A_36] : memref<2560x128xi32, #tpu.memory_space<hbm>> -> memref<160x128xi32, #tpu.memory_space<hbm>>
    %dma_wait3A_38 = arith.constant 0 : i32
    %dma_wait3A_39 = tpu.memref_slice %arg4[%mul3A_7, %dma_wait3A_38] : memref<2560x128xi32, #tpu.memory_space<hbm>> -> memref<160x128xi32, #tpu.memory_space<hbm>>
    tpu.wait_dma2 semaphore(%arg13 : memref<!tpu.dma_semaphore, #tpu.memory_space<semaphore_mem>>) src(%dma_wait3A_39 : memref<160x128xi32, #tpu.memory_space<hbm>>) dst(%arg7 : memref<160x128xi32, #tpu.memory_space<vmem>>)
    %barrier3A = arith.constant 0 : index
    tpu.barrier barrier_id(%barrier3A)
    %dma_start3A_40 = arith.constant 0 : i32
    %dma_start3A_41 = arith.constant 0 : i32
    %dma_start3A_42 = tpu.memref_slice %arg6[%dma_start3A_40, %dma_start3A_41] : memref<160x128xi32, #tpu.memory_space<vmem>> -> memref<1x128xi32, #tpu.memory_space<vmem>>
    %dma_start3A_43 = tpu.memref_squeeze %dma_start3A_42 : memref<1x128xi32, #tpu.memory_space<vmem>> -> memref<128xi32, #tpu.memory_space<vmem>>
    %dma_start3A_44 = arith.constant 0 : i32
    %dma_start3A_45 = arith.constant 0 : i32
    %dma_start3A_46 = tpu.memref_slice %arg2[%dma_start3A_44, %dma_start3A_45] : memref<20000x64xf32, #tpu.memory_space<hbm>> -> memref<20000x64xf32, #tpu.memory_space<hbm>>
    tpu.enqueue_indirect_dma source(%dma_start3A_46 : memref<20000x64xf32, #tpu.memory_space<hbm>>) target(%arg8 : memref<128x64xf32, #tpu.memory_space<vmem>>) offsets(%dma_start3A_43 : memref<128xi32, #tpu.memory_space<vmem>>) semaphore(%arg14 : memref<!tpu.dma_semaphore, #tpu.memory_space<semaphore_mem>>)
    %dma_start3A_47 = arith.constant 1 : i32
    %dma_start3A_48 = arith.constant 0 : i32
    %dma_start3A_49 = tpu.memref_slice %arg6[%dma_start3A_47, %dma_start3A_48] : memref<160x128xi32, #tpu.memory_space<vmem>> -> memref<1x128xi32, #tpu.memory_space<vmem>>
    %dma_start3A_50 = tpu.memref_squeeze %dma_start3A_49 : memref<1x128xi32, #tpu.memory_space<vmem>> -> memref<128xi32, #tpu.memory_space<vmem>>
    %dma_start3A_51 = arith.constant 0 : i32
    %dma_start3A_52 = arith.constant 0 : i32
    %dma_start3A_53 = tpu.memref_slice %arg2[%dma_start3A_51, %dma_start3A_52] : memref<20000x64xf32, #tpu.memory_space<hbm>> -> memref<20000x64xf32, #tpu.memory_space<hbm>>
    tpu.enqueue_indirect_dma source(%dma_start3A_53 : memref<20000x64xf32, #tpu.memory_space<hbm>>) target(%arg9 : memref<128x64xf32, #tpu.memory_space<vmem>>) offsets(%dma_start3A_50 : memref<128xi32, #tpu.memory_space<vmem>>) semaphore(%arg15 : memref<!tpu.dma_semaphore, #tpu.memory_space<semaphore_mem>>)
    %dma_start3A_54 = arith.constant 2 : i32
    %dma_start3A_55 = arith.constant 0 : i32
    %dma_start3A_56 = tpu.memref_slice %arg6[%dma_start3A_54, %dma_start3A_55] : memref<160x128xi32, #tpu.memory_space<vmem>> -> memref<1x128xi32, #tpu.memory_space<vmem>>
    %dma_start3A_57 = tpu.memref_squeeze %dma_start3A_56 : memref<1x128xi32, #tpu.memory_space<vmem>> -> memref<128xi32, #tpu.memory_space<vmem>>
    %dma_start3A_58 = arith.constant 0 : i32
    %dma_start3A_59 = arith.constant 0 : i32
    %dma_start3A_60 = tpu.memref_slice %arg2[%dma_start3A_58, %dma_start3A_59] : memref<20000x64xf32, #tpu.memory_space<hbm>> -> memref<20000x64xf32, #tpu.memory_space<hbm>>
    tpu.enqueue_indirect_dma source(%dma_start3A_60 : memref<20000x64xf32, #tpu.memory_space<hbm>>) target(%arg10 : memref<128x64xf32, #tpu.memory_space<vmem>>) offsets(%dma_start3A_57 : memref<128xi32, #tpu.memory_space<vmem>>) semaphore(%arg16 : memref<!tpu.dma_semaphore, #tpu.memory_space<semaphore_mem>>)
    %scan3A_61 = arith.constant 0 : i32
    %scan3A_62 = arith.constant 0 : i32
    %scan3A_63 = arith.constant 40 : i32
    %scan3A_64 = arith.addi %scan3A_62, %scan3A_63 : i32
    %scan3A_65 = arith.constant 1 : i32
    %scan3A_66 = scf.for %scan3A_85 = %scan3A_62 to %scan3A_64 step %scan3A_65 iter_args(%scan3A_86 = %scan3A_61) -> (i32)  : i32 {
      %mul3A_87 = arith.constant 4 : i32
      %mul3A_88 = arith.muli %scan3A_85, %mul3A_87 : i32
      %add3A_89 = arith.constant 0 : i32
      %add3A_90 = arith.addi %mul3A_88, %add3A_89 : i32
      %dma_wait3A_91 = arith.constant 0 : i32
      %dma_wait3A_92 = tpu.memref_slice %arg6[%add3A_90, %dma_wait3A_91] : memref<160x128xi32, #tpu.memory_space<vmem>> -> memref<1x128xi32, #tpu.memory_space<vmem>>
      %dma_wait3A_93 = tpu.memref_squeeze %dma_wait3A_92 : memref<1x128xi32, #tpu.memory_space<vmem>> -> memref<128xi32, #tpu.memory_space<vmem>>
      %dma_wait3A_94 = arith.constant 0 : i32
      %dma_wait3A_95 = arith.constant 0 : i32
      %dma_wait3A_96 = tpu.memref_slice %arg2[%dma_wait3A_94, %dma_wait3A_95] : memref<20000x64xf32, #tpu.memory_space<hbm>> -> memref<20000x64xf32, #tpu.memory_space<hbm>>
      tpu.wait_indirect_dma semaphore(%arg14 : memref<!tpu.dma_semaphore, #tpu.memory_space<semaphore_mem>>) src(%dma_wait3A_96 : memref<20000x64xf32, #tpu.memory_space<hbm>>) dst(%arg8 : memref<128x64xf32, #tpu.memory_space<vmem>>)
      %dma_start3A_97 = arith.constant 0 : i32
      %dma_start3A_98 = tpu.memref_slice %arg7[%add3A_90, %dma_start3A_97] : memref<160x128xi32, #tpu.memory_space<vmem>> -> memref<1x128xi32, #tpu.memory_space<vmem>>
      %dma_start3A_99 = tpu.memref_squeeze %dma_start3A_98 : memref<1x128xi32, #tpu.memory_space<vmem>> -> memref<128xi32, #tpu.memory_space<vmem>>
      %dma_start3A_100 = arith.constant 0 : i32
      %dma_start3A_101 = arith.constant 0 : i32
      %dma_start3A_102 = tpu.memref_slice %arg12[%dma_start3A_100, %dma_start3A_101] : memref<10248x64xf32, #tpu.memory_space<vmem_shared>> -> memref<10248x64xf32, #tpu.memory_space<vmem_shared>>
      tpu.enqueue_indirect_dma source(%arg8 : memref<128x64xf32, #tpu.memory_space<vmem>>) target(%dma_start3A_102 : memref<10248x64xf32, #tpu.memory_space<vmem_shared>>) offsets(%dma_start3A_99 : memref<128xi32, #tpu.memory_space<vmem>>) semaphore(%arg18 : memref<!tpu.dma_semaphore, #tpu.memory_space<semaphore_mem>>) {add = true}
      %ge3A = arith.constant 1 : i32
      %ge3A_103 = arith.cmpi sge, %add3A_90, %ge3A : i32
      %convert_element_type3A_104 = arith.extui %ge3A_103 : i1 to i32
      %cond3A_105 = arith.constant 0 : i32
      %cond3A_106 = arith.cmpi ne, %convert_element_type3A_104, %cond3A_105 : i32
      scf.if %cond3A_106 {
        %sub3A = arith.constant 1 : i32
        %sub3A_199 = arith.subi %add3A_90, %sub3A : i32
        %dma_wait3A_200 = arith.constant 0 : i32
        %dma_wait3A_201 = tpu.memref_slice %arg7[%sub3A_199, %dma_wait3A_200] : memref<160x128xi32, #tpu.memory_space<vmem>> -> memref<1x128xi32, #tpu.memory_space<vmem>>
        %dma_wait3A_202 = tpu.memref_squeeze %dma_wait3A_201 : memref<1x128xi32, #tpu.memory_space<vmem>> -> memref<128xi32, #tpu.memory_space<vmem>>
        %dma_wait3A_203 = arith.constant 0 : i32
        %dma_wait3A_204 = arith.constant 0 : i32
        %dma_wait3A_205 = tpu.memref_slice %arg12[%dma_wait3A_203, %dma_wait3A_204] : memref<10248x64xf32, #tpu.memory_space<vmem_shared>> -> memref<10248x64xf32, #tpu.memory_space<vmem_shared>>
        tpu.wait_indirect_dma semaphore(%arg21 : memref<!tpu.dma_semaphore, #tpu.memory_space<semaphore_mem>>) src(%arg11 : memref<128x64xf32, #tpu.memory_space<vmem>>) dst(%dma_wait3A_205 : memref<10248x64xf32, #tpu.memory_space<vmem_shared>>)
      } else {
      }
      %add3A_107 = arith.constant 3 : i32
      %add3A_108 = arith.addi %add3A_90, %add3A_107 : i32
      %lt3A_109 = arith.constant 160 : i32
      %lt3A_110 = arith.cmpi slt, %add3A_108, %lt3A_109 : i32
      %convert_element_type3A_111 = arith.extui %lt3A_110 : i1 to i32
      %cond3A_112 = arith.constant 0 : i32
      %cond3A_113 = arith.cmpi ne, %convert_element_type3A_111, %cond3A_112 : i32
      scf.if %cond3A_113 {
        %add3A_199 = arith.constant 3 : i32
        %add3A_200 = arith.addi %add3A_90, %add3A_199 : i32
        %dma_start3A_201 = arith.constant 0 : i32
        %dma_start3A_202 = tpu.memref_slice %arg6[%add3A_200, %dma_start3A_201] : memref<160x128xi32, #tpu.memory_space<vmem>> -> memref<1x128xi32, #tpu.memory_space<vmem>>
        %dma_start3A_203 = tpu.memref_squeeze %dma_start3A_202 : memref<1x128xi32, #tpu.memory_space<vmem>> -> memref<128xi32, #tpu.memory_space<vmem>>
        %dma_start3A_204 = arith.constant 0 : i32
        %dma_start3A_205 = arith.constant 0 : i32
        %dma_start3A_206 = tpu.memref_slice %arg2[%dma_start3A_204, %dma_start3A_205] : memref<20000x64xf32, #tpu.memory_space<hbm>> -> memref<20000x64xf32, #tpu.memory_space<hbm>>
        tpu.enqueue_indirect_dma source(%dma_start3A_206 : memref<20000x64xf32, #tpu.memory_space<hbm>>) target(%arg11 : memref<128x64xf32, #tpu.memory_space<vmem>>) offsets(%dma_start3A_203 : memref<128xi32, #tpu.memory_space<vmem>>) semaphore(%arg17 : memref<!tpu.dma_semaphore, #tpu.memory_space<semaphore_mem>>)
      } else {
      }
      %mul3A_114 = arith.constant 4 : i32
      %mul3A_115 = arith.muli %scan3A_85, %mul3A_114 : i32
      %add3A_116 = arith.constant 1 : i32
      %add3A_117 = arith.addi %mul3A_115, %add3A_116 : i32
      %dma_wait3A_118 = arith.constant 0 : i32
      %dma_wait3A_119 = tpu.memref_slice %arg6[%add3A_117, %dma_wait3A_118] : memref<160x128xi32, #tpu.memory_space<vmem>> -> memref<1x128xi32, #tpu.memory_space<vmem>>
      %dma_wait3A_120 = tpu.memref_squeeze %dma_wait3A_119 : memref<1x128xi32, #tpu.memory_space<vmem>> -> memref<128xi32, #tpu.memory_space<vmem>>
      %dma_wait3A_121 = arith.constant 0 : i32
      %dma_wait3A_122 = arith.constant 0 : i32
      %dma_wait3A_123 = tpu.memref_slice %arg2[%dma_wait3A_121, %dma_wait3A_122] : memref<20000x64xf32, #tpu.memory_space<hbm>> -> memref<20000x64xf32, #tpu.memory_space<hbm>>
      tpu.wait_indirect_dma semaphore(%arg15 : memref<!tpu.dma_semaphore, #tpu.memory_space<semaphore_mem>>) src(%dma_wait3A_123 : memref<20000x64xf32, #tpu.memory_space<hbm>>) dst(%arg9 : memref<128x64xf32, #tpu.memory_space<vmem>>)
      %dma_start3A_124 = arith.constant 0 : i32
      %dma_start3A_125 = tpu.memref_slice %arg7[%add3A_117, %dma_start3A_124] : memref<160x128xi32, #tpu.memory_space<vmem>> -> memref<1x128xi32, #tpu.memory_space<vmem>>
      %dma_start3A_126 = tpu.memref_squeeze %dma_start3A_125 : memref<1x128xi32, #tpu.memory_space<vmem>> -> memref<128xi32, #tpu.memory_space<vmem>>
      %dma_start3A_127 = arith.constant 0 : i32
      %dma_start3A_128 = arith.constant 0 : i32
      %dma_start3A_129 = tpu.memref_slice %arg12[%dma_start3A_127, %dma_start3A_128] : memref<10248x64xf32, #tpu.memory_space<vmem_shared>> -> memref<10248x64xf32, #tpu.memory_space<vmem_shared>>
      tpu.enqueue_indirect_dma source(%arg9 : memref<128x64xf32, #tpu.memory_space<vmem>>) target(%dma_start3A_129 : memref<10248x64xf32, #tpu.memory_space<vmem_shared>>) offsets(%dma_start3A_126 : memref<128xi32, #tpu.memory_space<vmem>>) semaphore(%arg19 : memref<!tpu.dma_semaphore, #tpu.memory_space<semaphore_mem>>) {add = true}
      %ge3A_130 = arith.constant 1 : i32
      %ge3A_131 = arith.cmpi sge, %add3A_117, %ge3A_130 : i32
      %convert_element_type3A_132 = arith.extui %ge3A_131 : i1 to i32
      %cond3A_133 = arith.constant 0 : i32
      %cond3A_134 = arith.cmpi ne, %convert_element_type3A_132, %cond3A_133 : i32
      scf.if %cond3A_134 {
        %sub3A = arith.constant 1 : i32
        %sub3A_199 = arith.subi %add3A_117, %sub3A : i32
        %dma_wait3A_200 = arith.constant 0 : i32
        %dma_wait3A_201 = tpu.memref_slice %arg7[%sub3A_199, %dma_wait3A_200] : memref<160x128xi32, #tpu.memory_space<vmem>> -> memref<1x128xi32, #tpu.memory_space<vmem>>
        %dma_wait3A_202 = tpu.memref_squeeze %dma_wait3A_201 : memref<1x128xi32, #tpu.memory_space<vmem>> -> memref<128xi32, #tpu.memory_space<vmem>>
        %dma_wait3A_203 = arith.constant 0 : i32
        %dma_wait3A_204 = arith.constant 0 : i32
        %dma_wait3A_205 = tpu.memref_slice %arg12[%dma_wait3A_203, %dma_wait3A_204] : memref<10248x64xf32, #tpu.memory_space<vmem_shared>> -> memref<10248x64xf32, #tpu.memory_space<vmem_shared>>
        tpu.wait_indirect_dma semaphore(%arg18 : memref<!tpu.dma_semaphore, #tpu.memory_space<semaphore_mem>>) src(%arg8 : memref<128x64xf32, #tpu.memory_space<vmem>>) dst(%dma_wait3A_205 : memref<10248x64xf32, #tpu.memory_space<vmem_shared>>)
      } else {
      }
      %add3A_135 = arith.constant 3 : i32
      %add3A_136 = arith.addi %add3A_117, %add3A_135 : i32
      %lt3A_137 = arith.constant 160 : i32
      %lt3A_138 = arith.cmpi slt, %add3A_136, %lt3A_137 : i32
      %convert_element_type3A_139 = arith.extui %lt3A_138 : i1 to i32
      %cond3A_140 = arith.constant 0 : i32
      %cond3A_141 = arith.cmpi ne, %convert_element_type3A_139, %cond3A_140 : i32
      scf.if %cond3A_141 {
        %add3A_199 = arith.constant 3 : i32
        %add3A_200 = arith.addi %add3A_117, %add3A_199 : i32
        %dma_start3A_201 = arith.constant 0 : i32
        %dma_start3A_202 = tpu.memref_slice %arg6[%add3A_200, %dma_start3A_201] : memref<160x128xi32, #tpu.memory_space<vmem>> -> memref<1x128xi32, #tpu.memory_space<vmem>>
        %dma_start3A_203 = tpu.memref_squeeze %dma_start3A_202 : memref<1x128xi32, #tpu.memory_space<vmem>> -> memref<128xi32, #tpu.memory_space<vmem>>
        %dma_start3A_204 = arith.constant 0 : i32
        %dma_start3A_205 = arith.constant 0 : i32
        %dma_start3A_206 = tpu.memref_slice %arg2[%dma_start3A_204, %dma_start3A_205] : memref<20000x64xf32, #tpu.memory_space<hbm>> -> memref<20000x64xf32, #tpu.memory_space<hbm>>
        tpu.enqueue_indirect_dma source(%dma_start3A_206 : memref<20000x64xf32, #tpu.memory_space<hbm>>) target(%arg8 : memref<128x64xf32, #tpu.memory_space<vmem>>) offsets(%dma_start3A_203 : memref<128xi32, #tpu.memory_space<vmem>>) semaphore(%arg14 : memref<!tpu.dma_semaphore, #tpu.memory_space<semaphore_mem>>)
      } else {
      }
      %mul3A_142 = arith.constant 4 : i32
      %mul3A_143 = arith.muli %scan3A_85, %mul3A_142 : i32
      %add3A_144 = arith.constant 2 : i32
      %add3A_145 = arith.addi %mul3A_143, %add3A_144 : i32
      %dma_wait3A_146 = arith.constant 0 : i32
      %dma_wait3A_147 = tpu.memref_slice %arg6[%add3A_145, %dma_wait3A_146] : memref<160x128xi32, #tpu.memory_space<vmem>> -> memref<1x128xi32, #tpu.memory_space<vmem>>
      %dma_wait3A_148 = tpu.memref_squeeze %dma_wait3A_147 : memref<1x128xi32, #tpu.memory_space<vmem>> -> memref<128xi32, #tpu.memory_space<vmem>>
      %dma_wait3A_149 = arith.constant 0 : i32
      %dma_wait3A_150 = arith.constant 0 : i32
      %dma_wait3A_151 = tpu.memref_slice %arg2[%dma_wait3A_149, %dma_wait3A_150] : memref<20000x64xf32, #tpu.memory_space<hbm>> -> memref<20000x64xf32, #tpu.memory_space<hbm>>
      tpu.wait_indirect_dma semaphore(%arg16 : memref<!tpu.dma_semaphore, #tpu.memory_space<semaphore_mem>>) src(%dma_wait3A_151 : memref<20000x64xf32, #tpu.memory_space<hbm>>) dst(%arg10 : memref<128x64xf32, #tpu.memory_space<vmem>>)
      %dma_start3A_152 = arith.constant 0 : i32
      %dma_start3A_153 = tpu.memref_slice %arg7[%add3A_145, %dma_start3A_152] : memref<160x128xi32, #tpu.memory_space<vmem>> -> memref<1x128xi32, #tpu.memory_space<vmem>>
      %dma_start3A_154 = tpu.memref_squeeze %dma_start3A_153 : memref<1x128xi32, #tpu.memory_space<vmem>> -> memref<128xi32, #tpu.memory_space<vmem>>
      %dma_start3A_155 = arith.constant 0 : i32
      %dma_start3A_156 = arith.constant 0 : i32
      %dma_start3A_157 = tpu.memref_slice %arg12[%dma_start3A_155, %dma_start3A_156] : memref<10248x64xf32, #tpu.memory_space<vmem_shared>> -> memref<10248x64xf32, #tpu.memory_space<vmem_shared>>
      tpu.enqueue_indirect_dma source(%arg10 : memref<128x64xf32, #tpu.memory_space<vmem>>) target(%dma_start3A_157 : memref<10248x64xf32, #tpu.memory_space<vmem_shared>>) offsets(%dma_start3A_154 : memref<128xi32, #tpu.memory_space<vmem>>) semaphore(%arg20 : memref<!tpu.dma_semaphore, #tpu.memory_space<semaphore_mem>>) {add = true}
      %ge3A_158 = arith.constant 1 : i32
      %ge3A_159 = arith.cmpi sge, %add3A_145, %ge3A_158 : i32
      %convert_element_type3A_160 = arith.extui %ge3A_159 : i1 to i32
      %cond3A_161 = arith.constant 0 : i32
      %cond3A_162 = arith.cmpi ne, %convert_element_type3A_160, %cond3A_161 : i32
      scf.if %cond3A_162 {
        %sub3A = arith.constant 1 : i32
        %sub3A_199 = arith.subi %add3A_145, %sub3A : i32
        %dma_wait3A_200 = arith.constant 0 : i32
        %dma_wait3A_201 = tpu.memref_slice %arg7[%sub3A_199, %dma_wait3A_200] : memref<160x128xi32, #tpu.memory_space<vmem>> -> memref<1x128xi32, #tpu.memory_space<vmem>>
        %dma_wait3A_202 = tpu.memref_squeeze %dma_wait3A_201 : memref<1x128xi32, #tpu.memory_space<vmem>> -> memref<128xi32, #tpu.memory_space<vmem>>
        %dma_wait3A_203 = arith.constant 0 : i32
        %dma_wait3A_204 = arith.constant 0 : i32
        %dma_wait3A_205 = tpu.memref_slice %arg12[%dma_wait3A_203, %dma_wait3A_204] : memref<10248x64xf32, #tpu.memory_space<vmem_shared>> -> memref<10248x64xf32, #tpu.memory_space<vmem_shared>>
        tpu.wait_indirect_dma semaphore(%arg19 : memref<!tpu.dma_semaphore, #tpu.memory_space<semaphore_mem>>) src(%arg9 : memref<128x64xf32, #tpu.memory_space<vmem>>) dst(%dma_wait3A_205 : memref<10248x64xf32, #tpu.memory_space<vmem_shared>>)
      } else {
      }
      %add3A_163 = arith.constant 3 : i32
      %add3A_164 = arith.addi %add3A_145, %add3A_163 : i32
      %lt3A_165 = arith.constant 160 : i32
      %lt3A_166 = arith.cmpi slt, %add3A_164, %lt3A_165 : i32
      %convert_element_type3A_167 = arith.extui %lt3A_166 : i1 to i32
      %cond3A_168 = arith.constant 0 : i32
      %cond3A_169 = arith.cmpi ne, %convert_element_type3A_167, %cond3A_168 : i32
      scf.if %cond3A_169 {
        %add3A_199 = arith.constant 3 : i32
        %add3A_200 = arith.addi %add3A_145, %add3A_199 : i32
        %dma_start3A_201 = arith.constant 0 : i32
        %dma_start3A_202 = tpu.memref_slice %arg6[%add3A_200, %dma_start3A_201] : memref<160x128xi32, #tpu.memory_space<vmem>> -> memref<1x128xi32, #tpu.memory_space<vmem>>
        %dma_start3A_203 = tpu.memref_squeeze %dma_start3A_202 : memref<1x128xi32, #tpu.memory_space<vmem>> -> memref<128xi32, #tpu.memory_space<vmem>>
        %dma_start3A_204 = arith.constant 0 : i32
        %dma_start3A_205 = arith.constant 0 : i32
        %dma_start3A_206 = tpu.memref_slice %arg2[%dma_start3A_204, %dma_start3A_205] : memref<20000x64xf32, #tpu.memory_space<hbm>> -> memref<20000x64xf32, #tpu.memory_space<hbm>>
        tpu.enqueue_indirect_dma source(%dma_start3A_206 : memref<20000x64xf32, #tpu.memory_space<hbm>>) target(%arg9 : memref<128x64xf32, #tpu.memory_space<vmem>>) offsets(%dma_start3A_203 : memref<128xi32, #tpu.memory_space<vmem>>) semaphore(%arg15 : memref<!tpu.dma_semaphore, #tpu.memory_space<semaphore_mem>>)
      } else {
      }
      %mul3A_170 = arith.constant 4 : i32
      %mul3A_171 = arith.muli %scan3A_85, %mul3A_170 : i32
      %add3A_172 = arith.constant 3 : i32
      %add3A_173 = arith.addi %mul3A_171, %add3A_172 : i32
      %dma_wait3A_174 = arith.constant 0 : i32
      %dma_wait3A_175 = tpu.memref_slice %arg6[%add3A_173, %dma_wait3A_174] : memref<160x128xi32, #tpu.memory_space<vmem>> -> memref<1x128xi32, #tpu.memory_space<vmem>>
      %dma_wait3A_176 = tpu.memref_squeeze %dma_wait3A_175 : memref<1x128xi32, #tpu.memory_space<vmem>> -> memref<128xi32, #tpu.memory_space<vmem>>
      %dma_wait3A_177 = arith.constant 0 : i32
      %dma_wait3A_178 = arith.constant 0 : i32
      %dma_wait3A_179 = tpu.memref_slice %arg2[%dma_wait3A_177, %dma_wait3A_178] : memref<20000x64xf32, #tpu.memory_space<hbm>> -> memref<20000x64xf32, #tpu.memory_space<hbm>>
      tpu.wait_indirect_dma semaphore(%arg17 : memref<!tpu.dma_semaphore, #tpu.memory_space<semaphore_mem>>) src(%dma_wait3A_179 : memref<20000x64xf32, #tpu.memory_space<hbm>>) dst(%arg11 : memref<128x64xf32, #tpu.memory_space<vmem>>)
      %dma_start3A_180 = arith.constant 0 : i32
      %dma_start3A_181 = tpu.memref_slice %arg7[%add3A_173, %dma_start3A_180] : memref<160x128xi32, #tpu.memory_space<vmem>> -> memref<1x128xi32, #tpu.memory_space<vmem>>
      %dma_start3A_182 = tpu.memref_squeeze %dma_start3A_181 : memref<1x128xi32, #tpu.memory_space<vmem>> -> memref<128xi32, #tpu.memory_space<vmem>>
      %dma_start3A_183 = arith.constant 0 : i32
      %dma_start3A_184 = arith.constant 0 : i32
      %dma_start3A_185 = tpu.memref_slice %arg12[%dma_start3A_183, %dma_start3A_184] : memref<10248x64xf32, #tpu.memory_space<vmem_shared>> -> memref<10248x64xf32, #tpu.memory_space<vmem_shared>>
      tpu.enqueue_indirect_dma source(%arg11 : memref<128x64xf32, #tpu.memory_space<vmem>>) target(%dma_start3A_185 : memref<10248x64xf32, #tpu.memory_space<vmem_shared>>) offsets(%dma_start3A_182 : memref<128xi32, #tpu.memory_space<vmem>>) semaphore(%arg21 : memref<!tpu.dma_semaphore, #tpu.memory_space<semaphore_mem>>) {add = true}
      %ge3A_186 = arith.constant 1 : i32
      %ge3A_187 = arith.cmpi sge, %add3A_173, %ge3A_186 : i32
      %convert_element_type3A_188 = arith.extui %ge3A_187 : i1 to i32
      %cond3A_189 = arith.constant 0 : i32
      %cond3A_190 = arith.cmpi ne, %convert_element_type3A_188, %cond3A_189 : i32
      scf.if %cond3A_190 {
        %sub3A = arith.constant 1 : i32
        %sub3A_199 = arith.subi %add3A_173, %sub3A : i32
        %dma_wait3A_200 = arith.constant 0 : i32
        %dma_wait3A_201 = tpu.memref_slice %arg7[%sub3A_199, %dma_wait3A_200] : memref<160x128xi32, #tpu.memory_space<vmem>> -> memref<1x128xi32, #tpu.memory_space<vmem>>
        %dma_wait3A_202 = tpu.memref_squeeze %dma_wait3A_201 : memref<1x128xi32, #tpu.memory_space<vmem>> -> memref<128xi32, #tpu.memory_space<vmem>>
        %dma_wait3A_203 = arith.constant 0 : i32
        %dma_wait3A_204 = arith.constant 0 : i32
        %dma_wait3A_205 = tpu.memref_slice %arg12[%dma_wait3A_203, %dma_wait3A_204] : memref<10248x64xf32, #tpu.memory_space<vmem_shared>> -> memref<10248x64xf32, #tpu.memory_space<vmem_shared>>
        tpu.wait_indirect_dma semaphore(%arg20 : memref<!tpu.dma_semaphore, #tpu.memory_space<semaphore_mem>>) src(%arg10 : memref<128x64xf32, #tpu.memory_space<vmem>>) dst(%dma_wait3A_205 : memref<10248x64xf32, #tpu.memory_space<vmem_shared>>)
      } else {
      }
      %add3A_191 = arith.constant 3 : i32
      %add3A_192 = arith.addi %add3A_173, %add3A_191 : i32
      %lt3A_193 = arith.constant 160 : i32
      %lt3A_194 = arith.cmpi slt, %add3A_192, %lt3A_193 : i32
      %convert_element_type3A_195 = arith.extui %lt3A_194 : i1 to i32
      %cond3A_196 = arith.constant 0 : i32
      %cond3A_197 = arith.cmpi ne, %convert_element_type3A_195, %cond3A_196 : i32
      scf.if %cond3A_197 {
        %add3A_199 = arith.constant 3 : i32
        %add3A_200 = arith.addi %add3A_173, %add3A_199 : i32
        %dma_start3A_201 = arith.constant 0 : i32
        %dma_start3A_202 = tpu.memref_slice %arg6[%add3A_200, %dma_start3A_201] : memref<160x128xi32, #tpu.memory_space<vmem>> -> memref<1x128xi32, #tpu.memory_space<vmem>>
        %dma_start3A_203 = tpu.memref_squeeze %dma_start3A_202 : memref<1x128xi32, #tpu.memory_space<vmem>> -> memref<128xi32, #tpu.memory_space<vmem>>
        %dma_start3A_204 = arith.constant 0 : i32
        %dma_start3A_205 = arith.constant 0 : i32
        %dma_start3A_206 = tpu.memref_slice %arg2[%dma_start3A_204, %dma_start3A_205] : memref<20000x64xf32, #tpu.memory_space<hbm>> -> memref<20000x64xf32, #tpu.memory_space<hbm>>
        tpu.enqueue_indirect_dma source(%dma_start3A_206 : memref<20000x64xf32, #tpu.memory_space<hbm>>) target(%arg10 : memref<128x64xf32, #tpu.memory_space<vmem>>) offsets(%dma_start3A_203 : memref<128xi32, #tpu.memory_space<vmem>>) semaphore(%arg16 : memref<!tpu.dma_semaphore, #tpu.memory_space<semaphore_mem>>)
      } else {
      }
      %scan3A_198 = arith.constant 0 : i32
      scf.yield %scan3A_198 : i32
    }
    %scan3A_67 = arith.constant 40 : i32
    %dma_wait3A_68 = arith.constant 159 : i32
    %dma_wait3A_69 = arith.constant 0 : i32
    %dma_wait3A_70 = tpu.memref_slice %arg7[%dma_wait3A_68, %dma_wait3A_69] : memref<160x128xi32, #tpu.memory_space<vmem>> -> memref<1x128xi32, #tpu.memory_space<vmem>>
    %dma_wait3A_71 = tpu.memref_squeeze %dma_wait3A_70 : memref<1x128xi32, #tpu.memory_space<vmem>> -> memref<128xi32, #tpu.memory_space<vmem>>
    %dma_wait3A_72 = arith.constant 0 : i32
    %dma_wait3A_73 = arith.constant 0 : i32
    %dma_wait3A_74 = tpu.memref_slice %arg12[%dma_wait3A_72, %dma_wait3A_73] : memref<10248x64xf32, #tpu.memory_space<vmem_shared>> -> memref<10248x64xf32, #tpu.memory_space<vmem_shared>>
    tpu.wait_indirect_dma semaphore(%arg21 : memref<!tpu.dma_semaphore, #tpu.memory_space<semaphore_mem>>) src(%arg11 : memref<128x64xf32, #tpu.memory_space<vmem>>) dst(%dma_wait3A_74 : memref<10248x64xf32, #tpu.memory_space<vmem_shared>>)
    %barrier3A_75 = arith.constant 0 : index
    tpu.barrier barrier_id(%barrier3A_75)
    %lt3A = arith.constant 15 : i32
    %lt3A_76 = arith.cmpi slt, %arg1, %lt3A : i32
    %convert_element_type3A_77 = arith.extui %lt3A_76 : i1 to i32
    %cond3A_78 = arith.constant 0 : i32
    %cond3A_79 = arith.cmpi ne, %convert_element_type3A_77, %cond3A_78 : i32
    scf.if %cond3A_79 {
      %mul3A_85 = arith.constant 624 : i32
      %mul3A_86 = arith.muli %arg1, %mul3A_85 : i32
      %mul3A_87 = arith.constant 624 : i32
      %mul3A_88 = arith.muli %arg1, %mul3A_87 : i32
      "tpu.region"() ({
        %run_scoped3A = tpu.sem_alloc : memref<!tpu.dma_semaphore, #tpu.memory_space<semaphore_mem>>
        %dma_start3A_89 = arith.constant 0 : i32
        %dma_start3A_90 = tpu.memref_slice %arg5[%arg0, %mul3A_88, %dma_start3A_89] : memref<2x10000x64xf32, #tpu.memory_space<hbm>> -> memref<1x624x64xf32, #tpu.memory_space<hbm>>
        %dma_start3A_91 = tpu.memref_squeeze %dma_start3A_90 : memref<1x624x64xf32, #tpu.memory_space<hbm>> -> memref<624x64xf32, #tpu.memory_space<hbm>>
        %dma_start3A_92 = arith.constant 0 : i32
        %dma_start3A_93 = tpu.memref_slice %arg12[%mul3A_86, %dma_start3A_92] : memref<10248x64xf32, #tpu.memory_space<vmem_shared>> -> memref<624x64xf32, #tpu.memory_space<vmem_shared>>
        tpu.enqueue_dma source(%dma_start3A_93 : memref<624x64xf32, #tpu.memory_space<vmem_shared>>) target(%dma_start3A_91 : memref<624x64xf32, #tpu.memory_space<hbm>>) target_semaphore(%run_scoped3A : memref<!tpu.dma_semaphore, #tpu.memory_space<semaphore_mem>>)
        %dma_wait3A_94 = arith.constant 0 : i32
        %dma_wait3A_95 = tpu.memref_slice %arg5[%arg0, %mul3A_88, %dma_wait3A_94] : memref<2x10000x64xf32, #tpu.memory_space<hbm>> -> memref<1x624x64xf32, #tpu.memory_space<hbm>>
        %dma_wait3A_96 = tpu.memref_squeeze %dma_wait3A_95 : memref<1x624x64xf32, #tpu.memory_space<hbm>> -> memref<624x64xf32, #tpu.memory_space<hbm>>
        %dma_wait3A_97 = arith.constant 0 : i32
        %dma_wait3A_98 = tpu.memref_slice %arg12[%mul3A_86, %dma_wait3A_97] : memref<10248x64xf32, #tpu.memory_space<vmem_shared>> -> memref<624x64xf32, #tpu.memory_space<vmem_shared>>
        tpu.wait_dma2 semaphore(%run_scoped3A : memref<!tpu.dma_semaphore, #tpu.memory_space<semaphore_mem>>) src(%dma_wait3A_98 : memref<624x64xf32, #tpu.memory_space<vmem_shared>>) dst(%dma_wait3A_96 : memref<624x64xf32, #tpu.memory_space<hbm>>)
        tpu.yield
      }) : () -> ()
    } else {
    }
    %eq3A_80 = arith.constant 15 : i32
    %eq3A_81 = arith.cmpi eq, %arg1, %eq3A_80 : i32
    %convert_element_type3A_82 = arith.extui %eq3A_81 : i1 to i32
    %cond3A_83 = arith.constant 0 : i32
    %cond3A_84 = arith.cmpi ne, %convert_element_type3A_82, %cond3A_83 : i32
    scf.if %cond3A_84 {
      "tpu.region"() ({
        %run_scoped3A = tpu.sem_alloc : memref<!tpu.dma_semaphore, #tpu.memory_space<semaphore_mem>>
        %dma_start3A_85 = arith.constant 9360 : i32
        %dma_start3A_86 = arith.constant 0 : i32
        %dma_start3A_87 = tpu.memref_slice %arg5[%arg0, %dma_start3A_85, %dma_start3A_86] : memref<2x10000x64xf32, #tpu.memory_space<hbm>> -> memref<1x640x64xf32, #tpu.memory_space<hbm>>
        %dma_start3A_88 = tpu.memref_squeeze %dma_start3A_87 : memref<1x640x64xf32, #tpu.memory_space<hbm>> -> memref<640x64xf32, #tpu.memory_space<hbm>>
        %dma_start3A_89 = arith.constant 9360 : i32
        %dma_start3A_90 = arith.constant 0 : i32
        %dma_start3A_91 = tpu.memref_slice %arg12[%dma_start3A_89, %dma_start3A_90] : memref<10248x64xf32, #tpu.memory_space<vmem_shared>> -> memref<640x64xf32, #tpu.memory_space<vmem_shared>>
        tpu.enqueue_dma source(%dma_start3A_91 : memref<640x64xf32, #tpu.memory_space<vmem_shared>>) target(%dma_start3A_88 : memref<640x64xf32, #tpu.memory_space<hbm>>) target_semaphore(%run_scoped3A : memref<!tpu.dma_semaphore, #tpu.memory_space<semaphore_mem>>)
        %dma_wait3A_92 = arith.constant 9360 : i32
        %dma_wait3A_93 = arith.constant 0 : i32
        %dma_wait3A_94 = tpu.memref_slice %arg5[%arg0, %dma_wait3A_92, %dma_wait3A_93] : memref<2x10000x64xf32, #tpu.memory_space<hbm>> -> memref<1x640x64xf32, #tpu.memory_space<hbm>>
        %dma_wait3A_95 = tpu.memref_squeeze %dma_wait3A_94 : memref<1x640x64xf32, #tpu.memory_space<hbm>> -> memref<640x64xf32, #tpu.memory_space<hbm>>
        %dma_wait3A_96 = arith.constant 9360 : i32
        %dma_wait3A_97 = arith.constant 0 : i32
        %dma_wait3A_98 = tpu.memref_slice %arg12[%dma_wait3A_96, %dma_wait3A_97] : memref<10248x64xf32, #tpu.memory_space<vmem_shared>> -> memref<640x64xf32, #tpu.memory_space<vmem_shared>>
        tpu.wait_dma2 semaphore(%run_scoped3A : memref<!tpu.dma_semaphore, #tpu.memory_space<semaphore_mem>>) src(%dma_wait3A_98 : memref<640x64xf32, #tpu.memory_space<vmem_shared>>) dst(%dma_wait3A_95 : memref<640x64xf32, #tpu.memory_space<hbm>>)
        tpu.yield
      }) : () -> ()
    } else {
    }
    return
  }
}

module attributes {stable_mosaic.version = 14 : i64} {
  func.func @_dense1_body(%arg0: i32, %arg1: i32, %arg2: memref<1000x128xf32, #tpu.memory_space<vmem>>, %arg3: memref<1x128x64xf32, #tpu.memory_space<vmem>>, %arg4: memref<1000x1xf32, #tpu.memory_space<vmem>>, %arg5: memref<1000x64xf32, #tpu.memory_space<vmem>>) attributes {dimension_semantics = [#tpu.dimension_semantics<arbitrary>, #tpu.dimension_semantics<arbitrary>], iteration_bounds = array<i64: 2, 10>, scalar_prefetch = 0 : i64, scratch_operands = 0 : i64, tpu.core_type = #tpu.core_type<tc>, window_params = [{transform_indices = @transform_0, window_bounds = array<i64: 1000, 128>}, {transform_indices = @transform_1, window_bounds = array<i64: 1, 128, 64>}, {transform_indices = @transform_2, window_bounds = array<i64: 1000, 1>}, {transform_indices = @transform_3, window_bounds = array<i64: 1000, 64>}]} {
    %get3A = arith.constant 0 : index
    %get3A_0 = arith.constant 0 : index
    %get3A_1 = vector.load %arg4[%get3A, %get3A_0] : memref<1000x1xf32, #tpu.memory_space<vmem>>, vector<1000x1xf32>
    %rsqrt3A = math.rsqrt %get3A_1 : vector<1000x1xf32>
    %get3A_2 = arith.constant 0 : index
    %get3A_3 = arith.constant 0 : index
    %get3A_4 = vector.load %arg2[%get3A_2, %get3A_3] : memref<1000x128xf32, #tpu.memory_space<vmem>>, vector<1000x128xf32>
    %get3A_5 = arith.constant 0 : index
    %get3A_6 = arith.constant 0 : index
    %get3A_7 = arith.constant 0 : index
    %get3A_8 = vector.load %arg3[%get3A_5, %get3A_6, %get3A_7] : memref<1x128x64xf32, #tpu.memory_space<vmem>>, vector<1x128x64xf32>
    %get3A_9 = vector.shape_cast %get3A_8 : vector<1x128x64xf32> to vector<128x64xf32>
    %dot_general3A = arith.constant dense<0.000000e+00> : vector<1000x64xf32>
    %dot_general3A_10 = tpu.matmul %get3A_4, %get3A_9, %dot_general3A {dimension_numbers = #tpu.dot_dimension_numbers<[1], [0], [0], [1], [0, 0, 1, 1], [], []>, transpose_lhs_hint = false} : vector<1000x128xf32>, vector<128x64xf32>, vector<1000x64xf32> -> vector<1000x64xf32>
    %mul3A = vector.broadcast %rsqrt3A : vector<1000x1xf32> to vector<1000x64xf32>
    %mul3A_11 = arith.mulf %dot_general3A_10, %mul3A : vector<1000x64xf32>
    %swap3A = arith.constant 0 : index
    %swap3A_12 = arith.constant 0 : index
    %swap3A_13 = vector.load %arg5[%swap3A, %swap3A_12] : memref<1000x64xf32, #tpu.memory_space<vmem>>, vector<1000x64xf32>
    tpu.vector_store %arg5[%swap3A, %swap3A_12], %mul3A_11 {strides = array<i32>} : memref<1000x64xf32, #tpu.memory_space<vmem>>, vector<1000x64xf32>,
    return
  }
  func.func @transform_0(%arg0: i32, %arg1: i32) -> (i32, i32) {
    %c0_i32 = arith.constant 0 : i32
    %c0_i32_0 = arith.constant 0 : i32
    return %arg1, %c0_i32 : i32, i32
  }
  func.func @transform_1(%arg0: i32, %arg1: i32) -> (i32, i32, i32) {
    %c0_i32 = arith.constant 0 : i32
    %c0_i32_0 = arith.constant 0 : i32
    %c0_i32_1 = arith.constant 0 : i32
    return %arg0, %c0_i32, %c0_i32_0 : i32, i32, i32
  }
  func.func @transform_2(%arg0: i32, %arg1: i32) -> (i32, i32) {
    %c0_i32 = arith.constant 0 : i32
    %c0_i32_0 = arith.constant 0 : i32
    return %arg1, %c0_i32 : i32, i32
  }
  func.func @transform_3(%arg0: i32, %arg1: i32) -> (i32, i32) {
    %mul3A = arith.constant 10 : i32
    %mul3A_0 = arith.muli %arg0, %mul3A : i32
    %add3A = arith.addi %mul3A_0, %arg1 : i32
    %c0_i32 = arith.constant 0 : i32
    %c0_i32_1 = arith.constant 0 : i32
    return %add3A, %c0_i32 : i32, i32
  }
}

module attributes {stable_mosaic.version = 14 : i64} {
  func.func @_dense2_body(%arg0: i32, %arg1: i32, %arg2: memref<1x1000x64xf32, #tpu.memory_space<vmem>>, %arg3: memref<1000x64xf32, #tpu.memory_space<vmem>>, %arg4: memref<1000x1xf32, #tpu.memory_space<vmem>>, %arg5: memref<1x1x64xf32, #tpu.memory_space<vmem>>, %arg6: memref<1000x64xf32, #tpu.memory_space<vmem>>) attributes {dimension_semantics = [#tpu.dimension_semantics<arbitrary>, #tpu.dimension_semantics<arbitrary>], iteration_bounds = array<i64: 2, 10>, scalar_prefetch = 0 : i64, scratch_operands = 0 : i64, tpu.core_type = #tpu.core_type<tc>, window_params = [{transform_indices = @transform_0, window_bounds = array<i64: 1, 1000, 64>}, {transform_indices = @transform_1, window_bounds = array<i64: 1000, 64>}, {transform_indices = @transform_2, window_bounds = array<i64: 1000, 1>}, {transform_indices = @transform_3, window_bounds = array<i64: 1, 1, 64>}, {transform_indices = @transform_4, window_bounds = array<i64: 1000, 64>}]} {
    %get3A = arith.constant 0 : index
    %get3A_0 = arith.constant 0 : index
    %get3A_1 = vector.load %arg4[%get3A, %get3A_0] : memref<1000x1xf32, #tpu.memory_space<vmem>>, vector<1000x1xf32>
    %rsqrt3A = math.rsqrt %get3A_1 : vector<1000x1xf32>
    %get3A_2 = arith.constant 0 : index
    %get3A_3 = arith.constant 0 : index
    %get3A_4 = arith.constant 0 : index
    %get3A_5 = vector.load %arg2[%get3A_2, %get3A_3, %get3A_4] : memref<1x1000x64xf32, #tpu.memory_space<vmem>>, vector<1x1000x64xf32>
    %get3A_6 = vector.shape_cast %get3A_5 : vector<1x1000x64xf32> to vector<1000x64xf32>
    %get3A_7 = arith.constant 0 : index
    %get3A_8 = arith.constant 0 : index
    %get3A_9 = vector.load %arg3[%get3A_7, %get3A_8] : memref<1000x64xf32, #tpu.memory_space<vmem>>, vector<1000x64xf32>
    %add3A = arith.addf %get3A_6, %get3A_9 : vector<1000x64xf32>
    %mul3A = vector.broadcast %rsqrt3A : vector<1000x1xf32> to vector<1000x64xf32>
    %mul3A_10 = arith.mulf %mul3A, %add3A : vector<1000x64xf32>
    %get3A_11 = arith.constant 0 : index
    %get3A_12 = arith.constant 0 : index
    %get3A_13 = arith.constant 0 : index
    %get3A_14 = vector.load %arg5[%get3A_11, %get3A_12, %get3A_13] : memref<1x1x64xf32, #tpu.memory_space<vmem>>, vector<1x1x64xf32>
    %get3A_15 = vector.shape_cast %get3A_14 : vector<1x1x64xf32> to vector<1x64xf32>
    %add3A_16 = vector.broadcast %get3A_15 : vector<1x64xf32> to vector<1000x64xf32>
    %add3A_17 = arith.addf %mul3A_10, %add3A_16 : vector<1000x64xf32>
    %max3A = arith.constant 0.000000e+00 : f32
    %max3A_18 = vector.broadcast %max3A : f32 to vector<1000x64xf32>
    %max3A_19 = arith.maximumf %add3A_17, %max3A_18 : vector<1000x64xf32>
    %mul3A_20 = vector.broadcast %rsqrt3A : vector<1000x1xf32> to vector<1000x64xf32>
    %mul3A_21 = arith.mulf %mul3A_20, %max3A_19 : vector<1000x64xf32>
    %swap3A = arith.constant 0 : index
    %swap3A_22 = arith.constant 0 : index
    %swap3A_23 = vector.load %arg6[%swap3A, %swap3A_22] : memref<1000x64xf32, #tpu.memory_space<vmem>>, vector<1000x64xf32>
    tpu.vector_store %arg6[%swap3A, %swap3A_22], %mul3A_21 {strides = array<i32>} : memref<1000x64xf32, #tpu.memory_space<vmem>>, vector<1000x64xf32>,
    return
  }
  func.func @transform_0(%arg0: i32, %arg1: i32) -> (i32, i32, i32) {
    %c0_i32 = arith.constant 0 : i32
    %c0_i32_0 = arith.constant 0 : i32
    return %arg0, %arg1, %c0_i32 : i32, i32, i32
  }
  func.func @transform_1(%arg0: i32, %arg1: i32) -> (i32, i32) {
    %mul3A = arith.constant 10 : i32
    %mul3A_0 = arith.muli %arg0, %mul3A : i32
    %add3A = arith.addi %mul3A_0, %arg1 : i32
    %c0_i32 = arith.constant 0 : i32
    %c0_i32_1 = arith.constant 0 : i32
    return %add3A, %c0_i32 : i32, i32
  }
  func.func @transform_2(%arg0: i32, %arg1: i32) -> (i32, i32) {
    %c0_i32 = arith.constant 0 : i32
    %c0_i32_0 = arith.constant 0 : i32
    return %arg1, %c0_i32 : i32, i32
  }
  func.func @transform_3(%arg0: i32, %arg1: i32) -> (i32, i32, i32) {
    %c0_i32 = arith.constant 0 : i32
    %c0_i32_0 = arith.constant 0 : i32
    %c0_i32_1 = arith.constant 0 : i32
    return %arg0, %c0_i32, %c0_i32_0 : i32, i32, i32
  }
  func.func @transform_4(%arg0: i32, %arg1: i32) -> (i32, i32) {
    %mul3A = arith.constant 10 : i32
    %mul3A_0 = arith.muli %arg0, %mul3A : i32
    %add3A = arith.addi %mul3A_0, %arg1 : i32
    %c0_i32 = arith.constant 0 : i32
    %c0_i32_1 = arith.constant 0 : i32
    return %add3A, %c0_i32 : i32, i32
  }
}

module attributes {stable_mosaic.version = 14 : i64} {
  func.func @_dense3_body(%arg0: i32, %arg1: memref<2x1000x64xf32, #tpu.memory_space<vmem>>, %arg2: memref<1000x64xf32, #tpu.memory_space<vmem>>, %arg3: memref<1000x64xf32, #tpu.memory_space<vmem>>, %arg4: memref<1000x1xf32, #tpu.memory_space<vmem>>, %arg5: memref<128x64xf32, #tpu.memory_space<vmem>>, %arg6: memref<1x64xf32, #tpu.memory_space<vmem>>, %arg7: memref<128x64xf32, #tpu.memory_space<vmem>>, %arg8: memref<1x64xf32, #tpu.memory_space<vmem>>, %arg9: memref<1000x64xf32, #tpu.memory_space<vmem>>, %arg10: memref<1000x64xf32, #tpu.memory_space<vmem>>) attributes {dimension_semantics = [#tpu.dimension_semantics<arbitrary>], iteration_bounds = array<i64: 10>, scalar_prefetch = 0 : i64, scratch_operands = 0 : i64, tpu.core_type = #tpu.core_type<tc>, window_params = [{transform_indices = @transform_0, window_bounds = array<i64: 2, 1000, 64>}, {transform_indices = @transform_1, window_bounds = array<i64: 1000, 64>}, {transform_indices = @transform_2, window_bounds = array<i64: 1000, 64>}, {transform_indices = @transform_3, window_bounds = array<i64: 1000, 1>}, {pipeline_mode = #tpu.pipeline_mode<synchronous>, transform_indices = @transform_4, window_bounds = array<i64: 128, 64>}, {pipeline_mode = #tpu.pipeline_mode<synchronous>, transform_indices = @transform_5, window_bounds = array<i64: 1, 64>}, {pipeline_mode = #tpu.pipeline_mode<synchronous>, transform_indices = @transform_6, window_bounds = array<i64: 128, 64>}, {pipeline_mode = #tpu.pipeline_mode<synchronous>, transform_indices = @transform_7, window_bounds = array<i64: 1, 64>}, {transform_indices = @transform_8, window_bounds = array<i64: 1000, 64>}, {transform_indices = @transform_9, window_bounds = array<i64: 1000, 64>}]} {
    %get3A = arith.constant 0 : index
    %get3A_0 = arith.constant 0 : index
    %get3A_1 = vector.load %arg4[%get3A, %get3A_0] : memref<1000x1xf32, #tpu.memory_space<vmem>>, vector<1000x1xf32>
    %rsqrt3A = math.rsqrt %get3A_1 : vector<1000x1xf32>
    %get3A_2 = arith.constant 0 : index
    %get3A_3 = arith.constant 0 : index
    %get3A_4 = arith.constant 0 : index
    %get3A_5 = vector.load %arg1[%get3A_2, %get3A_3, %get3A_4] : memref<2x1000x64xf32, #tpu.memory_space<vmem>>, vector<1x1000x64xf32>
    %get3A_6 = vector.shape_cast %get3A_5 : vector<1x1000x64xf32> to vector<1000x64xf32>
    %get3A_7 = arith.constant 0 : index
    %get3A_8 = arith.constant 0 : index
    %get3A_9 = vector.load %arg2[%get3A_7, %get3A_8] : memref<1000x64xf32, #tpu.memory_space<vmem>>, vector<1000x64xf32>
    %add3A = arith.addf %get3A_6, %get3A_9 : vector<1000x64xf32>
    %mul3A = vector.broadcast %rsqrt3A : vector<1000x1xf32> to vector<1000x64xf32>
    %mul3A_10 = arith.mulf %mul3A, %add3A : vector<1000x64xf32>
    %get3A_11 = arith.constant 1 : index
    %get3A_12 = arith.constant 0 : index
    %get3A_13 = arith.constant 0 : index
    %get3A_14 = vector.load %arg1[%get3A_11, %get3A_12, %get3A_13] : memref<2x1000x64xf32, #tpu.memory_space<vmem>>, vector<1x1000x64xf32>
    %get3A_15 = vector.shape_cast %get3A_14 : vector<1x1000x64xf32> to vector<1000x64xf32>
    %get3A_16 = arith.constant 0 : index
    %get3A_17 = arith.constant 0 : index
    %get3A_18 = vector.load %arg3[%get3A_16, %get3A_17] : memref<1000x64xf32, #tpu.memory_space<vmem>>, vector<1000x64xf32>
    %add3A_19 = arith.addf %get3A_15, %get3A_18 : vector<1000x64xf32>
    %mul3A_20 = vector.broadcast %rsqrt3A : vector<1000x1xf32> to vector<1000x64xf32>
    %mul3A_21 = arith.mulf %mul3A_20, %add3A_19 : vector<1000x64xf32>
    %get3A_22 = arith.constant 0 : index
    %get3A_23 = arith.constant 0 : index
    %get3A_24 = vector.load %arg5[%get3A_22, %get3A_23] : memref<128x64xf32, #tpu.memory_space<vmem>>, vector<64x64xf32>
    %dot_general3A = arith.constant dense<0.000000e+00> : vector<1000x64xf32>
    %dot_general3A_25 = tpu.matmul %mul3A_10, %get3A_24, %dot_general3A {dimension_numbers = #tpu.dot_dimension_numbers<[1], [0], [0], [1], [0, 0, 1, 1], [], []>, transpose_lhs_hint = false} : vector<1000x64xf32>, vector<64x64xf32>, vector<1000x64xf32> -> vector<1000x64xf32>
    %get3A_26 = arith.constant 64 : index
    %get3A_27 = arith.constant 0 : index
    %get3A_28 = vector.load %arg5[%get3A_26, %get3A_27] : memref<128x64xf32, #tpu.memory_space<vmem>>, vector<64x64xf32>
    %dot_general3A_29 = arith.constant dense<0.000000e+00> : vector<1000x64xf32>
    %dot_general3A_30 = tpu.matmul %mul3A_21, %get3A_28, %dot_general3A_29 {dimension_numbers = #tpu.dot_dimension_numbers<[1], [0], [0], [1], [0, 0, 1, 1], [], []>, transpose_lhs_hint = false} : vector<1000x64xf32>, vector<64x64xf32>, vector<1000x64xf32> -> vector<1000x64xf32>
    %add3A_31 = arith.addf %dot_general3A_25, %dot_general3A_30 : vector<1000x64xf32>
    %get3A_32 = arith.constant 0 : index
    %get3A_33 = arith.constant 0 : index
    %get3A_34 = vector.load %arg6[%get3A_32, %get3A_33] : memref<1x64xf32, #tpu.memory_space<vmem>>, vector<1x64xf32>
    %add3A_35 = vector.broadcast %get3A_34 : vector<1x64xf32> to vector<1000x64xf32>
    %add3A_36 = arith.addf %add3A_31, %add3A_35 : vector<1000x64xf32>
    %swap3A = arith.constant 0 : index
    %swap3A_37 = arith.constant 0 : index
    %swap3A_38 = vector.load %arg9[%swap3A, %swap3A_37] : memref<1000x64xf32, #tpu.memory_space<vmem>>, vector<1000x64xf32>
    tpu.vector_store %arg9[%swap3A, %swap3A_37], %add3A_36 {strides = array<i32>} : memref<1000x64xf32, #tpu.memory_space<vmem>>, vector<1000x64xf32>,
    %get3A_39 = arith.constant 0 : index
    %get3A_40 = arith.constant 0 : index
    %get3A_41 = vector.load %arg7[%get3A_39, %get3A_40] : memref<128x64xf32, #tpu.memory_space<vmem>>, vector<64x64xf32>
    %dot_general3A_42 = arith.constant dense<0.000000e+00> : vector<1000x64xf32>
    %dot_general3A_43 = tpu.matmul %mul3A_10, %get3A_41, %dot_general3A_42 {dimension_numbers = #tpu.dot_dimension_numbers<[1], [0], [0], [1], [0, 0, 1, 1], [], []>, transpose_lhs_hint = false} : vector<1000x64xf32>, vector<64x64xf32>, vector<1000x64xf32> -> vector<1000x64xf32>
    %get3A_44 = arith.constant 64 : index
    %get3A_45 = arith.constant 0 : index
    %get3A_46 = vector.load %arg7[%get3A_44, %get3A_45] : memref<128x64xf32, #tpu.memory_space<vmem>>, vector<64x64xf32>
    %dot_general3A_47 = arith.constant dense<0.000000e+00> : vector<1000x64xf32>
    %dot_general3A_48 = tpu.matmul %mul3A_21, %get3A_46, %dot_general3A_47 {dimension_numbers = #tpu.dot_dimension_numbers<[1], [0], [0], [1], [0, 0, 1, 1], [], []>, transpose_lhs_hint = false} : vector<1000x64xf32>, vector<64x64xf32>, vector<1000x64xf32> -> vector<1000x64xf32>
    %add3A_49 = arith.addf %dot_general3A_43, %dot_general3A_48 : vector<1000x64xf32>
    %get3A_50 = arith.constant 0 : index
    %get3A_51 = arith.constant 0 : index
    %get3A_52 = vector.load %arg8[%get3A_50, %get3A_51] : memref<1x64xf32, #tpu.memory_space<vmem>>, vector<1x64xf32>
    %add3A_53 = vector.broadcast %get3A_52 : vector<1x64xf32> to vector<1000x64xf32>
    %add3A_54 = arith.addf %add3A_49, %add3A_53 : vector<1000x64xf32>
    %swap3A_55 = arith.constant 0 : index
    %swap3A_56 = arith.constant 0 : index
    %swap3A_57 = vector.load %arg10[%swap3A_55, %swap3A_56] : memref<1000x64xf32, #tpu.memory_space<vmem>>, vector<1000x64xf32>
    tpu.vector_store %arg10[%swap3A_55, %swap3A_56], %add3A_54 {strides = array<i32>} : memref<1000x64xf32, #tpu.memory_space<vmem>>, vector<1000x64xf32>,
    return
  }
  func.func @transform_0(%arg0: i32) -> (i32, i32, i32) {
    %c0_i32 = arith.constant 0 : i32
    %c0_i32_0 = arith.constant 0 : i32
    %c0_i32_1 = arith.constant 0 : i32
    return %c0_i32, %arg0, %c0_i32_0 : i32, i32, i32
  }
  func.func @transform_1(%arg0: i32) -> (i32, i32) {
    %c0_i32 = arith.constant 0 : i32
    %c0_i32_0 = arith.constant 0 : i32
    return %arg0, %c0_i32 : i32, i32
  }
  func.func @transform_2(%arg0: i32) -> (i32, i32) {
    %add3A = arith.constant 10 : i32
    %add3A_0 = arith.addi %add3A, %arg0 : i32
    %c0_i32 = arith.constant 0 : i32
    %c0_i32_1 = arith.constant 0 : i32
    return %add3A_0, %c0_i32 : i32, i32
  }
  func.func @transform_3(%arg0: i32) -> (i32, i32) {
    %c0_i32 = arith.constant 0 : i32
    %c0_i32_0 = arith.constant 0 : i32
    return %arg0, %c0_i32 : i32, i32
  }
  func.func @transform_4(%arg0: i32) -> (i32, i32) {
    %c0_i32 = arith.constant 0 : i32
    %c0_i32_0 = arith.constant 0 : i32
    %c0_i32_1 = arith.constant 0 : i32
    return %c0_i32, %c0_i32_0 : i32, i32
  }
  func.func @transform_5(%arg0: i32) -> (i32, i32) {
    %c0_i32 = arith.constant 0 : i32
    %c0_i32_0 = arith.constant 0 : i32
    %c0_i32_1 = arith.constant 0 : i32
    return %c0_i32, %c0_i32_0 : i32, i32
  }
  func.func @transform_6(%arg0: i32) -> (i32, i32) {
    %c0_i32 = arith.constant 0 : i32
    %c0_i32_0 = arith.constant 0 : i32
    %c0_i32_1 = arith.constant 0 : i32
    return %c0_i32, %c0_i32_0 : i32, i32
  }
  func.func @transform_7(%arg0: i32) -> (i32, i32) {
    %c0_i32 = arith.constant 0 : i32
    %c0_i32_0 = arith.constant 0 : i32
    %c0_i32_1 = arith.constant 0 : i32
    return %c0_i32, %c0_i32_0 : i32, i32
  }
  func.func @transform_8(%arg0: i32) -> (i32, i32) {
    %c0_i32 = arith.constant 0 : i32
    %c0_i32_0 = arith.constant 0 : i32
    return %arg0, %c0_i32 : i32, i32
  }
  func.func @transform_9(%arg0: i32) -> (i32, i32) {
    %c0_i32 = arith.constant 0 : i32
    %c0_i32_0 = arith.constant 0 : i32
    return %arg0, %c0_i32 : i32, i32
  }
}

</mosaic_0001>

<sc_bundles>
// kernel: kernel.11.cloned.1.call-start
scs
__scs_entry_jumppad:
0x0: {  	(pc) =	sbr.rel $0x88, $3  }
0x1: {  	(tag) =	ssettag $0x0;
	lr =	simm.s32 $0x1  }
0x2: {  	[smem:$0x3F99] =	sst lr;
	_ =	strace $0xD0000000  }
0x3: {  	_ = 	snop  }
0x4: {  	_ = 	snop  }
0x5: {  	_ = 	snop  }
0x6: {  	_ = 	snop  }
0x7: {  	_ = 	snop  }
__scs_overlays_trampoline_lowered:
0x8: {  	[smem:$0x3FA8] =	sst s0  }
0x9: {  	[smem:$0x3FA9] =	sst s1  }
0xa: {  	[smem:$0x3FAA] =	sst s2  }
0xb: {  	[smem:$0x3FAB] =	sst s3  }
0xc: {  	[smem:$0x3FAC] =	sst s4  }
0xd: {  	[smem:$0x3FAD] =	sst s5  }
0xe: {  	[smem:$0x3FAE] =	sst s6  }
0xf: {  	[smem:$0x3FAF] =	sst s7  }
0x10: {  	[smem:$0x3FB0] =	sst s8  }
0x11: {  	[smem:$0x3FB1] =	sst s9;
	s0 =	simm.s32 @!p0 $0x0  }
0x12: {  	s1 =	sld [smem:$0x3F97];
	s0 =	simm.s32 @p0 $0x1  }
0x13: {  	[smem:$0x3FB2] =	sst s0;
	s0 =	simm.s32 @!p1 $0x0  }
0x14: {  	s2 =	sld [smem:$0x3F96];
	s0 =	simm.s32 @p1 $0x1  }
0x15: {  	[smem:$0x3FB3] =	sst s0;
	s0 =	simm.s32 @!p2 $0x0  }
0x16: {  	s3 =	sld [smem:$0x3FDB];
	s0 =	simm.s32 @p2 $0x1  }
0x17: {  	s4 =	simm.s32 $0x1BF5;
	[smem:$0x3FB5] =	sst s0  }
0x18: {  	s0 =	sld [smem:$0x3F98];
	_ =	swait.ge [sflag:s4], $0x0  }
0x19: {  	s7 =	sld [smem:$0x3F99]  }
0x1a: {  	s8 =	sadd.s32 $0xFFFFE003, lr  }
0x1b: {  	s9 =	sadd.s32 $0xFFFFFEF7, lr;
	s5 =	simm.s32 $0xFFFFFFFF;
	p2 =	slt.u32 s8, $0xFFFFF086  }
0x1c: {  	p1 =	slt.u32 s9, $0xF7A;
	s5 =	simm.s32 @!p2 $0x0  }
0x1d: {  	s5 =	simm.s32 @p1 $0x1;
	p0 =	seq.s32 s7, s2  }
0x1e: {  	s7 =	smul.u32 @!p0 $0xF7A, s2;
	p2 =	seq.s32 @!p0 s5, $0x0  }
0x1f: {  	s9 =	smul.u32 $0xF7A, s1;
	s8 =	simm.s32 @!p0 $0x1BF5;
	p2 =	por !p2, p0  }
0x20: {  	[sflag:s8] =	ssyncset.s32 @!p0 $0xFFFFF086;
	s6 =	sadd.s32 @!p0 s3, s7;
	s7 =	simm.s32 @!p0 $0x108  }
0x21: {  	s3 =	sadd.s32 s3, s9;
	s6 =	sadd.s32 @!p0 $0x88, s6;
	s7 =	simm.s32 @p2 $0x1082  }
0x22: {  	[simem:s7], [sflag:s8] =	dma.local @!p0 [hbm:s6], $0xF7A  }
0x23: {  	s9 =	sor.u32 $0xD0000000, s2;
	s6 =	simm.s32 $0x108;
	_ =	swait.ge @!p0 [sflag:s8], $0x0  }
0x24: {  	s3 =	sadd.s32 $0x88, s3;
	s6 =	simm.s32 @!p1 $0x1082;
	[sflag:s4] =	ssyncset.s32 $0xFFFFF086  }
0x25: {  	[simem:s6], [sflag:s4] =	dma.local [hbm:s3], $0xF7A  }
0x26: {  	[smem:$0x3F99] =	sst s1;
	(tag) =	ssettag s2;
	_ =	strace s9  }
0x27: {  	s1 =	sld [smem:$0x3FA9]  }
0x28: {  	s2 =	sld [smem:$0x3FAA]  }
0x29: {  	s4 =	sld [smem:$0x3FAC]  }
0x2a: {  	p0 =	seq.s32 s5, $0x0;
	s5 =	sld [smem:$0x3FAD]  }
0x2b: {  	s6 =	sld [smem:$0x3FAE]  }
0x2c: {  	s7 =	sld [smem:$0x3FAF]  }
0x2d: {  	s3 =	simm.s32 $0x108;
	s8 =	sld [smem:$0x3FB0]  }
0x2e: {  	s3 =	simm.s32 @!p0 $0x1082;
	s9 =	sld [smem:$0x3FB1]  }
0x2f: {  	lr =	sadd.s32 s0, s3;
	s0 =	sld [smem:$0x3FA8]  }
0x30: {  	s3 =	sld [smem:$0x3FAB]  }
0x31: {  	[smem:$0x3FB4] =	sst s10  }
0x32: {  	s10 =	sld [smem:$0x3FB2];
	_ =	sdelay $0x3  }
0x33: {  	p0 =	seq.s32 s10, $0x1;
	s10 =	sld [smem:$0x3FB4];
	_ =	sdelay $0x3  }
0x34: {  	[smem:$0x3FB4] =	sst s10  }
0x35: {  	s10 =	sld [smem:$0x3FB3];
	_ =	sdelay $0x3  }
0x36: {  	p1 =	seq.s32 s10, $0x1;
	s10 =	sld [smem:$0x3FB4];
	_ =	sdelay $0x3  }
0x37: {  	[smem:$0x3FB4] =	sst s10  }
0x38: {  	s10 =	sld [smem:$0x3FB5]  }
0x39: {  	_ = 	snop;
	(pc) =	sbr.ind lr, $3  }
0x3a: {  	_ = 	snop  }
0x3b: {  	_ = 	snop  }
0x3c: {  	p2 =	seq.s32 s10, $0x1;
	s10 =	sld [smem:$0x3FB4]  }
0x3d: {  	_ =	shalt  }
0x3e: {  	_ =	shalt  }
0x3f: {  	_ =	shalt  }
0x40: {  	_ =	shalt  }
0x41: {  	_ =	shalt  }
0x42: {  	_ =	shalt  }
0x43: {  	_ =	shalt  }
0x44: {  	_ =	shalt  }
0x45: {  	_ =	shalt  }
0x46: {  	_ =	shalt  }
0x47: {  	_ =	shalt  }
0x48: {  	_ =	shalt  }
0x49: {  	_ =	shalt  }
0x4a: {  	_ =	shalt  }
0x4b: {  	_ =	shalt  }
0x4c: {  	_ =	shalt  }
0x4d: {  	_ =	shalt  }
0x4e: {  	_ =	shalt  }
0x4f: {  	_ =	shalt  }
0x50: {  	_ =	shalt  }
0x51: {  	_ =	shalt  }
0x52: {  	_ =	shalt  }
0x53: {  	_ =	shalt  }
0x54: {  	_ =	shalt  }
0x55: {  	_ =	shalt  }
0x56: {  	_ =	shalt  }
0x57: {  	_ =	shalt  }
0x58: {  	_ =	shalt  }
0x59: {  	_ =	shalt  }
0x5a: {  	_ =	shalt  }
0x5b: {  	_ =	shalt  }
0x5c: {  	_ =	shalt  }
0x5d: {  	_ =	shalt  }
0x5e: {  	_ =	shalt  }
0x5f: {  	_ =	shalt  }
0x60: {  	_ =	shalt  }
0x61: {  	_ =	shalt  }
0x62: {  	_ =	shalt  }
0x63: {  	_ =	shalt  }
0x64: {  	_ =	shalt  }
0x65: {  	_ =	shalt  }
0x66: {  	_ =	shalt  }
0x67: {  	_ =	shalt  }
0x68: {  	_ =	shalt  }
0x69: {  	_ =	shalt  }
0x6a: {  	_ =	shalt  }
0x6b: {  	_ =	shalt  }
0x6c: {  	_ =	shalt  }
0x6d: {  	_ =	shalt  }
0x6e: {  	_ =	shalt  }
0x6f: {  	_ =	shalt  }
0x70: {  	_ =	shalt  }
0x71: {  	_ =	shalt  }
0x72: {  	_ =	shalt  }
0x73: {  	_ =	shalt  }
0x74: {  	_ =	shalt  }
0x75: {  	_ =	shalt  }
0x76: {  	_ =	shalt  }
0x77: {  	_ =	shalt  }
0x78: {  	_ =	shalt  }
0x79: {  	_ =	shalt  }
0x7a: {  	_ =	shalt  }
0x7b: {  	_ =	shalt  }
0x7c: {  	_ =	shalt  }
0x7d: {  	_ =	shalt  }
0x7e: {  	_ =	shalt  }
0x7f: {  	_ =	shalt  }
0x80: {  	_ =	shalt  }
0x81: {  	_ =	shalt  }
0x82: {  	_ =	shalt  }
0x83: {  	_ =	shalt  }
0x84: {  	_ =	shalt  }
0x85: {  	_ =	shalt  }
0x86: {  	_ =	shalt  }
0x87: {  	_ =	shalt  }
.Lfunc_end0:
.L_simem_size_0:
called_computation.1_lowered:
.L_overlay_start_0:
0x88: {  	s2 =	sld [smem:$0x3FD9]  }
0x89: {  	s3 =	sld [smem:$0x3FFE];
	_ =	sdelay $0x1  }
0x8a: {  	s1 =	srdreg.scid  }
0x8b: {  	s0 =	sand.u32 $0x1, s1  }
0x8c: {  	s14 =	sshll.u32 s0, $0xA;
	s2 =	sadd.s32 s3, s2  }
0x8d: {  	s2 =	sadd.s32 s2, s14  }
0x8e: {  	[smem:$0x3FC0] =	sst s2  }
0x8f: {  	_ = 	snop  }
0x90: {  	s2 =	sld [smem:$0x3FD0];
	_ =	sdelay $0x2  }
0x91: {  	s15 =	simm.s32 $0xA;
	s4 =	simm.s32 $0x10  }
0x92: {  	[smem:s4], [sflag:s15] =	dma.local [hbm:s2], $0x1  }
0x93: {  	_ =	swait.eq [sflag:s15], $0x1  }
0x94: {  	[sflag:s15] =	ssyncset.done $0x0  }
0x95: {  	[sflag:s15] =	ssyncadd.s32 $0xFFFFFFFF  }
0x96: {  	s16 =	sld [smem:$0x10];
	(tm) =	ssettm $0x1  }
0x97: {  	s17 =	sld [smem:$0x3FFB];
	_ =	sdelay $0x3  }
0x98: {  	_ =	strace s17  }
0x99: {  	s3 =	sld [smem:$0x3FFC];
	_ =	sdelay $0x3  }
0x9a: {  	_ =	strace s3  }
0x9b: {  	s3 =	sld [smem:$0x3FFD];
	_ =	sdelay $0x3  }
0x9c: {  	_ =	strace s3  }
0x9d: {  	_ =	strace $0x8FFFFFFF  }
0x9e: {  	s18 =	sld [smem:$0x3FDB];
	_ =	sdelay $0x1  }
0x9f: {  	s19 =	simm.s32 $_scs_section_size  }
0xa0: {  	s5 =	simm.s32 $_size__tile_overlayer_lowered;
	s6 =	simm.s32 $_tile_overlayer_lowered  }
0xa1: {  	s22 =	simm.s32 $0x1BFF;
	s21 =	sshll.u32 s6, $0x1;
	s3 =	sadd.s32 s19, s18  }
0xa2: {  	s7 =	simm.s32 $0x0;
	s20 =	sshll.u32 s5, $0x1;
	s5 =	sadd.s32 s21, s3  }
0xa3: {  	[timem:s7], [sflag:s22] =	dma.local [hbm:s5], s20  }
0xa4: {  	_ =	swait.ge [sflag:s22], s20  }
0xa5: {  	s4 =	ssub.s32 $0x0, s20;
	[sflag:s22] =	ssyncset.done $0x0  }
0xa6: {  	[sflag:s22] =	ssyncadd.s32 s4;
	_ =	sdelay $0x1  }
0xa7: {  	s23 =	simm.s32 $0x1B8B  }
0xa8: {  	_ =	swait.ge [sflag:s23], $0x1  }
0xa9: {  	[sflag:s23] =	ssyncset.done $0x0  }
0xaa: {  	s25 =	simm.s32 $0x1B8E;
	s24 =	sld [smem:$0x3FFE];
	[sflag:s23] =	ssyncadd.s32 $0xFFFFFFFF  }
0xab: {  	s26 =	simm.s32 $execute0_lowered;
	[smem:$0x3FD2] =	sst s25  }
0xac: {  	s5 =	sshll.u32 s26, $0x1;
	_ =	strace $0x80000049;
	[dreg:$0x1] =	wrdreg $0xFFFFFFFF  }
0xad: {  	s28 =	simm.s32 $_size_execute0_lowered;
	s3 =	sadd.s32 s3, s5;
	[dreg:$0x0] =	wrdreg $0x0  }
0xae: {  	s5 =	sshll.u32 s28, $0x1;
	[dreg:$0x2] =	wrdreg s3  }
0xaf: {  	[dreg:$0x3] =	wrdreg s5  }
0xb0: {  	[dreg:$0x4] =	wrdreg $0xC0  }
0xb1: {  	_ =	task [dreg:s7], $0x5FFFF  }
0xb2: {  	[dreg:$0x1] =	wrdreg $0xFFFFFFFF  }
0xb3: {  	[dreg:$0x0] =	wrdreg $0x60  }
0xb4: {  	[dreg:$0x2] =	wrdreg s24  }
0xb5: {  	[dreg:$0x3] =	wrdreg s16  }
0xb6: {  	[dreg:$0x4] =	wrdreg $0x120000  }
0xb7: {  	[dreg:$0x5] =	wrdreg $0x9  }
0xb8: {  	_ =	task.clear_ibuf [dreg:s7], $0x6FFFF;
	_ =	strace $0x90000049  }
0xb9: {  	s29 =	simm.s32 $0x9;
	_ =	strace $0x8000004B  }
0xba: {  	_ =	swait.ge [sflag:s29], $0x1  }
0xbb: {  	[sflag:s29] =	ssyncadd.s32 $0xFFFFFFFF  }
0xbc: {  	_ =	strace $0x9000004B  }
0xbd: {  	_ =	sfence  }
0xbe: {  	s30 =	sld [smem:$0x0];
	_ =	sdelay $0x2  }
0xbf: {  	s31 =	sshll.u32 s1, $0xD;
	s1 =	sshrl.u32 s1, $0x2  }
0xc0: {  	s3 =	sand.u32 $0x4000, s31;
	s1 =	sadd.s32 s1, s30  }
0xc1: {  	s0 =	sor.u32 s3, s0;
	s1 =	sshll.u32 s1, $0x11  }
0xc2: {  	s0 =	sor.u32 s1, s0  }
0xc3: {  	s0 =	sadd.s32 $0x8F2B, s0  }
0xc4: {  	[sflag:s0] =	ssyncadd.remote.s32 $0x1  }
0xc5: {  	_ =	sfence.sel $0xFFFF  }
0xc6: {  	[dreg:$0x0] =	wrdreg $0xFFFFFFFF;
	(pc) =	sbr.abs _section_cstart, $3  }
0xc7: {  	[dreg:$0x1] =	wrdreg $0xFFFFFFFF  }
0xc8: {  	_ =	task.clear_ibuf [dreg:s7], $0x2FFFF;
	_ =	strace $0x9FFFFFFF  }
0xc9: {  	(tm) =	ssettm $0x7FFFFFFF  }
tec
execute0_lowered:
.L_overlay_start_1:
0x0: {  	(tag) =	ssettag $0x1  }
0x1: {  	s0 =	rddreg [dreg:$0x0]  }
0x2: {  	s1 =	rddreg [dreg:$0x1]  }
0x3: {  	s3 =	srdreg.scid;
	s10 =	stileid.u32  }
0x4: {  	s2 =	rddreg [dreg:$0x2];
	s4 =	simm.s32 $0x0;
	s16 =	simm.s32 $0x5000  }
0x5: {  	s17 =	simm.s32 $0xA000;
	s18 =	simm.s32 $0xA;
	s29 =	simm.s32 $0x10000  }
0x6: {  	s30 =	simm.s32 $0x3;
	s31 =	simm.s32 $0x7;
	s5 =	smul.u32 $0x5000, s10  }
0x7: {  	s28 =	simm.s32 $0x5;
	s3 =	sand.u32 $0x1, s3;
	s8 =	smul.u32 $0x27800, s10  }
0x8: {  	[smem:$0x7FF] =	sst s4;
	s4 =	sadd.s32 $0x64A00, s0;
	s20 =	smul.u32 $0x9C00, s10  }
0x9: {  	s26 =	sadd.s32 $0x9E200, s2;
	p0 =	sne.s32 s10, $0xF;
	p1 =	seq.s32 s10, $0xF  }
0xa: {  	s6 =	smul.u32 $0x50000, s3;
	_ =	strace $0x8000004A;
	s7 =	ssub.s32 $0x2, s3  }
0xb: {  	s3 =	smul.u32 $0x9C400, s3;
	[dreg:$0xa] =	wrdreg s26;
	s26 =	simm.s32 $0x2  }
0xc: {  	s9 =	sshrl.u32 s7, $0x1;
	s8 =	sshrl.u32 s8, $0x2;
	s19 =	sshrl.u32 s5, $0x3  }
0xd: {  	s6 =	sadd.s32 s5, s6;
	s7 =	ssub.s32 s7, s9;
	s5 =	sadd.s32 s8, s2  }
0xe: {  	s1 =	sadd.s32 s1, s19;
	s24 =	sadd.s32 s20, s3;
	s3 =	sshrl.u32 s3, $0x3  }
0xf: {  	s19 =	simm.s32 $0x1;
	[dreg:$0x5] =	wrdreg s1;
	s21 =	sadd.s32 $0x2000, s5  }
0x10: {  	s6 =	sshrl.u32 s6, $0x3;
	s22 =	sadd.s32 $0x4000, s5;
	[dreg:$0x6] =	wrdreg s21  }
0x11: {  	s23 =	sadd.s32 $0x6000, s5;
	s25 =	sadd.s32 $0x8000, s5;
	[dreg:$0x7] =	wrdreg s22  }
0x12: {  	s1 =	sshrl.u32 s24, $0x3;
	s15 =	smax.u32 s7, $0x1;
	[dreg:$0x8] =	wrdreg s23  }
0x13: {  	s6 =	sadd.s32 s6, s0;
	s0 =	sadd.s32 $0x8BC00, s0;
	[dreg:$0x9] =	wrdreg s25  }
0x14: {  	s21 =	simm.s32 $0xC000;
	s23 =	simm.s32 $0xE000;
	s22 =	simm.s32 $0x4  }
.Ltmp0:
0x15: {  	s6 =	sadd.s32 $0x2800, s6;
	s13 =	sadd.s32 s0, s1;
	(pc) =	sbr.rel .LBB2_1-.Ltmp0, $4  }
0x16: {  	s0 =	sadd.s32 s0, s3;
	s1 =	sadd.s32 s20, s2;
	s20 =	simm.s32 $0x80  }
0x17: {  	s3 =	simm.s32 $0x9;
	[dreg:$0x4] =	wrdreg s6;
	s14 =	sadd.s32 $0x12480, s0  }
0x18: {  	s0 =	sadd.s32 $0x92400, s2;
	s25 =	sshrl.u32 @!p1 s1, $0x3;
	s1 =	simm.s32 $0x6  }
0x19: {  	v0 =	vimm.f32 $0.0e+00;
	s6 =	simm.s32 $0x0;
	s24 =	sshrl.u32 @p1 s0, $0x3;
	s0 =	simm.s32 $0x8  }
.LBB2_6:
0x1a: {  	_ =	swait.ge [sflag:s3], $0x2000  }
0x1b: {  	[sflag:s3] =	ssyncset.done $0x0  }
0x1c: {  	[sflag:s3] =	ssyncadd.s32 $0xFFFFE000  }
0x1d: {  	s7 =	simm.s32 @p1 $0x1FCA;
	[bflag:$0x0] =	sbarrier.arrive $0xFFFF  }
0x1e: {  	[hbm:s14], [sflag:s7] =	dma.local @p1 [spmem:s24], $0x1400  }
0x1f: {  	s7 =	simm.s32 @p1 $0xA  }
0x20: {  	s8 =	stileid.u32;
	_ =	swait.ge @p1 [sflag:s7], $0x1400  }
0x21: {  	s6 =	sadd.s32 $0x1, s6;
	s8 =	sshll.u32 @!p1 s8, $0x6;
	[sflag:s7] =	ssyncset.done @p1 $0x0  }
0x22: {  	p2 =	sne.s32 s6, s15;
	[sflag:s7] =	ssyncadd.s32 @p1 $0xFFFFEC00;
	s7 =	sor.u32 @!p1 $0x1C0A, s8  }
0x23: {  	[hbm:s13], [sflag:s7] =	dma.local @!p1 [spmem:s25], $0x1380  }
.Ltmp1:
0x24: {  	_ = 	snop;
	(pc) =	sbr.rel @!p2 .LBB2_7-.Ltmp1, $4  }
0x25: {  	s7 =	simm.s32 @!p1 $0xA  }
0x26: {  	_ =	swait.ge @!p1 [sflag:s7], $0x1380  }
0x27: {  	[sflag:s7] =	ssyncset.done @!p1 $0x0  }
0x28: {  	[sflag:s7] =	ssyncadd.s32 @!p1 $0xFFFFEC80  }
.LBB2_1:
0x29: {  	s7 =	simm.s32 $0x0;
	s8 =	rddreg [dreg:$0x4]  }
0x2a: {  	[tilespmem:s7], [sflag:$0x1] =	stream.linear.gather [hbm4b:s8+s7], $0x5000, $0x38;
	[tilespmem:$0x1C020] =	vst v63  }
0x2b: {  	s12 =	rddreg [dreg:$0x5]  }
0x2c: {  	[tilespmem:s16], [sflag:$0x1] =	stream.linear.gather [hbm4b:s12+s7], $0x5000, $0x38;
	[tilespmem:$0x1C020] =	vst v63  }
0x2d: {  	s8 =	simm.s32 $0x100;
	s7 =	simm.s32 $0x0  }
.LBB2_2:
0x2e: {  	p2 =	sne.s32 s8, $0x7F00;
	[tilespmem:s7+$0xA030] =	vst v0;
	s9 =	smov.u32 s8;
	s8 =	sadd.s32 $0x100, s8  }
.Ltmp2:
0x2f: {  	[tilespmem:s7+$0xA020] =	vst v0;
	(pc) =	sbr.rel @p2 .LBB2_2-.Ltmp2, $3  }
0x30: {  	[tilespmem:s7+$0xA000] =	vst v0  }
0x31: {  	[tilespmem:s7+$0xA010] =	vst v0;
	_ =	sdelay $0x1  }
0x32: {  	s7 =	sshra.s32 s9, $0x2  }
0x33: {  	[tilespmem:s7+$0xA030] =	vst v0  }
0x34: {  	[tilespmem:s7+$0xA020] =	vst v0  }
0x35: {  	[tilespmem:s7+$0xA000] =	vst v0  }
0x36: {  	[tilespmem:s7+$0xA010] =	vst v0  }
0x37: {  	[spmem:s5] =	stream.linear.scatter [tilespmem:s17], [sflag:$0xA], $0x2000, $0x38;
	[tilespmem:$0x1C020] =	vst v63  }
0x38: {  	_ =	swait.ge [sflag:s18], $0x2000  }
0x39: {  	[sflag:s18] =	ssyncset.done $0x0  }
0x3a: {  	s10 =	rddreg [dreg:$0x6];
	[sflag:s18] =	ssyncadd.s32 $0xFFFFE000  }
0x3b: {  	[spmem:s10] =	stream.linear.scatter [tilespmem:s17], [sflag:$0xA], $0x2000, $0x38;
	[tilespmem:$0x1C020] =	vst v63  }
0x3c: {  	_ =	swait.ge [sflag:s18], $0x2000  }
0x3d: {  	[sflag:s18] =	ssyncset.done $0x0  }
0x3e: {  	s11 =	rddreg [dreg:$0x7];
	[sflag:s18] =	ssyncadd.s32 $0xFFFFE000  }
0x3f: {  	[spmem:s11] =	stream.linear.scatter [tilespmem:s17], [sflag:$0xA], $0x2000, $0x38;
	[tilespmem:$0x1C020] =	vst v63  }
0x40: {  	_ =	swait.ge [sflag:s18], $0x2000  }
0x41: {  	[sflag:s18] =	ssyncset.done $0x0  }
0x42: {  	s12 =	rddreg [dreg:$0x8];
	[sflag:s18] =	ssyncadd.s32 $0xFFFFE000  }
0x43: {  	[spmem:s12] =	stream.linear.scatter [tilespmem:s17], [sflag:$0xA], $0x2000, $0x38;
	[tilespmem:$0x1C020] =	vst v63  }
0x44: {  	_ =	swait.ge [sflag:s18], $0x2000  }
0x45: {  	[sflag:s18] =	ssyncset.done $0x0  }
0x46: {  	s8 =	rddreg [dreg:$0x9];
	[sflag:s18] =	ssyncadd.s32 $0xFFFFE000  }
0x47: {  	[spmem:s8] =	stream.linear.scatter [tilespmem:s17], [sflag:$0xA], $0x2000, $0x38;
	[tilespmem:$0x1C020] =	vst v63  }
0x48: {  	_ =	swait.ge [sflag:s18], $0x2000  }
0x49: {  	[sflag:s18] =	ssyncset.done $0x0  }
0x4a: {  	s7 =	simm.s32 @!p0 $0xA000;
	s8 =	rddreg [dreg:$0xa];
	[sflag:s18] =	ssyncadd.s32 $0xFFFFE000  }
0x4b: {  	[spmem:s8] =	stream.linear.scatter @!p0 [tilespmem:s7], [sflag:$0xA], $0x2000, $0x38;
	[tilespmem:$0x1C020] =	vst v63  }
0x4c: {  	s7 =	simm.s32 @!p0 $0xA  }
0x4d: {  	_ =	swait.ge @!p0 [sflag:s7], $0x2000  }
0x4e: {  	[sflag:s7] =	ssyncset.done @!p0 $0x0  }
0x4f: {  	[sflag:s7] =	ssyncadd.s32 @!p0 $0xFFFFE000  }
0x50: {  	_ =	swait.ge [sflag:s19], $0x5000  }
0x51: {  	[sflag:s19] =	ssyncset.done $0x0  }
0x52: {  	[sflag:s19] =	ssyncadd.s32 $0xFFFFB000  }
0x53: {  	_ =	swait.ge [sflag:s19], $0x5000  }
0x54: {  	[sflag:s19] =	ssyncset.done $0x0  }
0x55: {  	[sflag:s19] =	ssyncadd.s32 $0xFFFFB000  }
0x56: {  	s7 =	simm.s32 $0x0;
	[bflag:$0x0] =	sbarrier.arrive $0xFFFF  }
0x57: {  	[tilespmem:s17], [sflag:$0x2] =	stream.indirect.gather [hbm4b:s4+s20], $0x40, s7, s20, $0xb8;
	[tilespmem:$0x1C020] =	vst v63  }
0x58: {  	_ = 	snop  }
0x59: {  	[tilespmem:s21], [sflag:$0x3] =	stream.indirect.gather [hbm4b:s4+s20], $0x40, s20, s20, $0xb8;
	[tilespmem:$0x1C020] =	vst v63  }
0x5a: {  	s9 =	simm.s32 $0x100  }
0x5b: {  	[tilespmem:s23], [sflag:$0x4] =	stream.indirect.gather [hbm4b:s4+s20], $0x40, s9, s20, $0xb8;
	[tilespmem:$0x1C020] =	vst v63  }
0x5c: {  	_ =	swait.ge [sflag:s26], $0x2000  }
0x5d: {  	[sflag:s26] =	ssyncset.done $0x0  }
0x5e: {  	[sflag:s26] =	ssyncadd.s32 $0xFFFFE000  }
0x5f: {  	[spmem:s2] =	stream.indirect.scatter.add.f32 [tilespmem:s17], [sflag:$0x6], $0x40, s16, s20, $0xb8;
	[tilespmem:$0x1C020] =	vst v63  }
0x60: {  	s10 =	simm.s32 $0x180  }
0x61: {  	[tilespmem:s29], [sflag:$0x5] =	stream.indirect.gather [hbm4b:s4+s20], $0x40, s10, s20, $0xb8;
	[tilespmem:$0x1C020] =	vst v63  }
0x62: {  	_ =	swait.ge [sflag:s30], $0x2000  }
0x63: {  	[sflag:s30] =	ssyncset.done $0x0  }
0x64: {  	s11 =	simm.s32 $0x5080;
	[sflag:s30] =	ssyncadd.s32 $0xFFFFE000  }
0x65: {  	[spmem:s2] =	stream.indirect.scatter.add.f32 [tilespmem:s21], [sflag:$0x7], $0x40, s11, s20, $0xb8;
	[tilespmem:$0x1C020] =	vst v63  }
0x66: {  	_ =	swait.ge [sflag:s1], $0x2000  }
0x67: {  	[sflag:s1] =	ssyncset.done $0x0  }
0x68: {  	s12 =	simm.s32 $0x200;
	[sflag:s1] =	ssyncadd.s32 $0xFFFFE000  }
0x69: {  	[tilespmem:s17], [sflag:$0x2] =	stream.indirect.gather [hbm4b:s4+s20], $0x40, s12, s20, $0xb8;
	[tilespmem:$0x1C020] =	vst v63  }
0x6a: {  	_ =	swait.ge [sflag:s22], $0x2000  }
0x6b: {  	[sflag:s22] =	ssyncset.done $0x0  }
0x6c: {  	s9 =	simm.s32 $0x5100;
	[sflag:s22] =	ssyncadd.s32 $0xFFFFE000  }
0x6d: {  	[spmem:s2] =	stream.indirect.scatter.add.f32 [tilespmem:s23], [sflag:$0x8], $0x40, s9, s20, $0xb8;
	[tilespmem:$0x1C020] =	vst v63  }
0x6e: {  	_ =	swait.ge [sflag:s31], $0x2000  }
0x6f: {  	[sflag:s31] =	ssyncset.done $0x0  }
0x70: {  	s10 =	simm.s32 $0x280;
	[sflag:s31] =	ssyncadd.s32 $0xFFFFE000  }
0x71: {  	[tilespmem:s21], [sflag:$0x3] =	stream.indirect.gather [hbm4b:s4+s20], $0x40, s10, s20, $0xb8;
	[tilespmem:$0x1C020] =	vst v63  }
0x72: {  	_ =	swait.ge [sflag:s28], $0x2000  }
0x73: {  	[sflag:s28] =	ssyncset.done $0x0  }
0x74: {  	s11 =	simm.s32 $0x5180;
	[sflag:s28] =	ssyncadd.s32 $0xFFFFE000  }
0x75: {  	[spmem:s2] =	stream.indirect.scatter.add.f32 [tilespmem:s29], [sflag:$0x9], $0x40, s11, s20, $0xb8;
	[tilespmem:$0x1C020] =	vst v63  }
0x76: {  	_ =	swait.ge [sflag:s0], $0x2000  }
0x77: {  	[sflag:s0] =	ssyncset.done $0x0  }
0x78: {  	s12 =	simm.s32 $0x300;
	[sflag:s0] =	ssyncadd.s32 $0xFFFFE000  }
0x79: {  	[tilespmem:s23], [sflag:$0x4] =	stream.indirect.gather [hbm4b:s4+s20], $0x40, s12, s20, $0xb8;
	[tilespmem:$0x1C020] =	vst v63  }
.LBB2_4:
0x7a: {  	_ =	swait.ge [sflag:s26], $0x2000  }
0x7b: {  	s8 =	sshra.s32 s7, $0x2;
	[sflag:s26] =	ssyncset.done $0x0  }
0x7c: {  	s9 =	sadd.s32 $0x5200, s8;
	[sflag:s26] =	ssyncadd.s32 $0xFFFFE000  }
0x7d: {  	[spmem:s2] =	stream.indirect.scatter.add.f32 [tilespmem:s17], [sflag:$0x6], $0x40, s9, s20, $0xb8;
	[tilespmem:$0x1C020] =	vst v63  }
0x7e: {  	_ =	swait.ge [sflag:s3], $0x2000  }
0x7f: {  	[sflag:s3] =	ssyncset.done $0x0  }
0x80: {  	s10 =	sadd.s32 $0x380, s8;
	[sflag:s3] =	ssyncadd.s32 $0xFFFFE000  }
0x81: {  	[tilespmem:s29], [sflag:$0x5] =	stream.indirect.gather [hbm4b:s4+s20], $0x40, s10, s20, $0xb8;
	[tilespmem:$0x1C020] =	vst v63  }
0x82: {  	_ =	swait.ge [sflag:s30], $0x2000  }
0x83: {  	[sflag:s30] =	ssyncset.done $0x0  }
0x84: {  	s11 =	sadd.s32 $0x5280, s8;
	[sflag:s30] =	ssyncadd.s32 $0xFFFFE000  }
0x85: {  	[spmem:s2] =	stream.indirect.scatter.add.f32 [tilespmem:s21], [sflag:$0x7], $0x40, s11, s20, $0xb8;
	[tilespmem:$0x1C020] =	vst v63  }
0x86: {  	_ =	swait.ge [sflag:s1], $0x2000  }
0x87: {  	p2 =	seq.s32 s7, $0x13000;
	[sflag:s1] =	ssyncset.done $0x0  }
0x88: {  	s9 =	simm.s32 @p2 $0x4;
	[sflag:s1] =	ssyncadd.s32 $0xFFFFE000  }
0x89: {  	_ =	swait.ge @p2 [sflag:s9], $0x2000  }
0x8a: {  	[sflag:s9] =	ssyncset.done @p2 $0x0  }
0x8b: {  	[sflag:s9] =	ssyncadd.s32 @p2 $0xFFFFE000;
	s9 =	sshra.s32 @p2 s7, $0x2  }
0x8c: {  	s10 =	simm.s32 @p2 $0x80;
	s11 =	simm.s32 @p2 $0xE000;
	s9 =	sadd.s32 @p2 $0x5300, s9  }
0x8d: {  	[spmem:s2] =	stream.indirect.scatter.add.f32 @p2 [tilespmem:s11], [sflag:$0x8], $0x40, s9, s10, $0xb8;
	[tilespmem:$0x1C020] =	vst v63  }
0x8e: {  	s9 =	simm.s32 @p2 $0x7  }
0x8f: {  	_ =	swait.ge @p2 [sflag:s9], $0x2000  }
0x90: {  	[sflag:s9] =	ssyncset.done @p2 $0x0  }
0x91: {  	[sflag:s9] =	ssyncadd.s32 @p2 $0xFFFFE000;
	s9 =	sshra.s32 @!p2 s7, $0x2  }
0x92: {  	s12 =	simm.s32 @!p2 $0xA000;
	s11 =	simm.s32 @!p2 $0x80;
	s10 =	sadd.s32 @!p2 $0x400, s9  }
0x93: {  	[tilespmem:s12], [sflag:$0x2] =	stream.indirect.gather @!p2 [hbm4b:s4+s11], $0x40, s10, s11, $0xb8;
	[tilespmem:$0x1C020] =	vst v63  }
0x94: {  	s10 =	simm.s32 @!p2 $0x4  }
0x95: {  	_ =	swait.ge @!p2 [sflag:s10], $0x2000  }
0x96: {  	[sflag:s10] =	ssyncset.done @!p2 $0x0  }
0x97: {  	s12 =	simm.s32 @!p2 $0xE000;
	[sflag:s10] =	ssyncadd.s32 @!p2 $0xFFFFE000;
	s10 =	sadd.s32 @!p2 $0x5300, s9  }
0x98: {  	[spmem:s2] =	stream.indirect.scatter.add.f32 @!p2 [tilespmem:s12], [sflag:$0x8], $0x40, s10, s11, $0xb8;
	[tilespmem:$0x1C020] =	vst v63  }
0x99: {  	s10 =	simm.s32 @!p2 $0x7  }
0x9a: {  	_ =	swait.ge @!p2 [sflag:s10], $0x2000  }
0x9b: {  	[sflag:s10] =	ssyncset.done @!p2 $0x0  }
0x9c: {  	s9 =	sadd.s32 @!p2 $0x480, s9;
	[sflag:s10] =	ssyncadd.s32 @!p2 $0xFFFFE000;
	s10 =	simm.s32 @!p2 $0xC000  }
0x9d: {  	[tilespmem:s10], [sflag:$0x3] =	stream.indirect.gather @!p2 [hbm4b:s4+s11], $0x40, s9, s11, $0xb8;
	[tilespmem:$0x1C020] =	vst v63  }
0x9e: {  	_ =	swait.ge [sflag:s28], $0x2000  }
0x9f: {  	[sflag:s28] =	ssyncset.done $0x0  }
.Ltmp3:
0xa0: {  	s12 =	sadd.s32 $0x5380, s8;
	[sflag:s28] =	ssyncadd.s32 $0xFFFFE000;
	(pc) =	sbr.rel @p2 .LBB2_6-.Ltmp3, $4  }
0xa1: {  	[spmem:s2] =	stream.indirect.scatter.add.f32 [tilespmem:s29], [sflag:$0x9], $0x40, s12, s20, $0xb8;
	[tilespmem:$0x1C020] =	vst v63  }
0xa2: {  	_ =	swait.ge [sflag:s0], $0x2000  }
0xa3: {  	[sflag:s0] =	ssyncset.done $0x0  }
0xa4: {  	[sflag:s0] =	ssyncadd.s32 $0xFFFFE000  }
.Ltmp4:
0xa5: {  	(pc) =	sbr.rel .LBB2_4-.Ltmp4, $3  }
0xa6: {  	_ =	sdelay $0x1  }
0xa7: {  	s8 =	sadd.s32 $0x500, s8;
	s7 =	sadd.s32 $0x800, s7  }
0xa8: {  	[tilespmem:s23], [sflag:$0x4] =	stream.indirect.gather [hbm4b:s4+s20], $0x40, s8, s20, $0xb8;
	[tilespmem:$0x1C020] =	vst v63  }
.LBB2_7:
0xa9: {  	_ =	sfence.sel $0x180000  }
0xaa: {  	[bflag:$0x0] =	sbarrier.arrive $0xFFFF  }
0xab: {  	_ =	strace $0x9000004A  }
0xac: {  	s0 =	stileid.u32;
	[bflag:$0x2] =	sbarrier.arrive $0xFFFF  }
0xad: {  	p0 =	sne.s32 s0, $0x0;
	s0 =	rddreg [dreg:$0x3]  }
0xae: {  	s0 =	sadd.s32 @!p0 $0x100000, s0  }
0xaf: {  	[sflag:s0] =	ssyncadd.tile.s32 @!p0 $0x1;
	_ =	shalt  }
.Lfunc_end2:
_tile_overlayer_lowered:
.L_overlay_start_2:
0xb0: {  	(tag) =	ssettag $0x2  }
0xb1: {  	s0 =	rddreg [dreg:$0x0];
	s2 =	stileid.u32  }
0xb2: {  	s1 =	rddreg [dreg:$0x1];
	p0 =	sne.s32 s2, $0x0  }
0xb3: {  	s3 =	rddreg [dreg:$0x2];
	[bflag:$0x3] =	sbarrier.arrive $0xFFFF;
	s2 =	simm.s32 @!p0 $0x1C0A  }
0xb4: {  	[timem:s3], [sflag:s2] =	dma.local @!p0 [hbm:s0], s1  }
0xb5: {  	s0 =	simm.s32 @!p0 $0xA  }
0xb6: {  	_ =	swait.ge @!p0 [sflag:s0], s1  }
0xb7: {  	s1 =	ssub.s32 @!p0 $0x0, s1;
	[sflag:s0] =	ssyncset.done @!p0 $0x0  }
0xb8: {  	[sflag:s0] =	ssyncadd.s32 @!p0 s1  }
0xb9: {  	[bflag:$0x3] =	sbarrier.arrive $0xFFFF  }
0xba: {  	_ =	shalt  }

// kernel: kernel.14.cloned.1.call-start
scs
__scs_entry_jumppad:
0x0: {  	(pc) =	sbr.rel $0x88, $3  }
0x1: {  	(tag) =	ssettag $0x0;
	lr =	simm.s32 $0x1  }
0x2: {  	[smem:$0x3F99] =	sst lr;
	_ =	strace $0xD0000000  }
0x3: {  	_ = 	snop  }
0x4: {  	_ = 	snop  }
0x5: {  	_ = 	snop  }
0x6: {  	_ = 	snop  }
0x7: {  	_ = 	snop  }
__scs_overlays_trampoline_lowered:
0x8: {  	[smem:$0x3FA8] =	sst s0  }
0x9: {  	[smem:$0x3FA9] =	sst s1  }
0xa: {  	[smem:$0x3FAA] =	sst s2  }
0xb: {  	[smem:$0x3FAB] =	sst s3  }
0xc: {  	[smem:$0x3FAC] =	sst s4  }
0xd: {  	[smem:$0x3FAD] =	sst s5  }
0xe: {  	[smem:$0x3FAE] =	sst s6  }
0xf: {  	[smem:$0x3FAF] =	sst s7  }
0x10: {  	[smem:$0x3FB0] =	sst s8  }
0x11: {  	[smem:$0x3FB1] =	sst s9;
	s0 =	simm.s32 @!p0 $0x0  }
0x12: {  	s1 =	sld [smem:$0x3F97];
	s0 =	simm.s32 @p0 $0x1  }
0x13: {  	[smem:$0x3FB2] =	sst s0;
	s0 =	simm.s32 @!p1 $0x0  }
0x14: {  	s2 =	sld [smem:$0x3F96];
	s0 =	simm.s32 @p1 $0x1  }
0x15: {  	[smem:$0x3FB3] =	sst s0;
	s0 =	simm.s32 @!p2 $0x0  }
0x16: {  	s3 =	sld [smem:$0x3FDB];
	s0 =	simm.s32 @p2 $0x1  }
0x17: {  	s4 =	simm.s32 $0x1BF5;
	[smem:$0x3FB5] =	sst s0  }
0x18: {  	s0 =	sld [smem:$0x3F98];
	_ =	swait.ge [sflag:s4], $0x0  }
0x19: {  	s7 =	sld [smem:$0x3F99]  }
0x1a: {  	s8 =	sadd.s32 $0xFFFFE003, lr  }
0x1b: {  	s9 =	sadd.s32 $0xFFFFFEF7, lr;
	s5 =	simm.s32 $0xFFFFFFFF;
	p2 =	slt.u32 s8, $0xFFFFF086  }
0x1c: {  	p1 =	slt.u32 s9, $0xF7A;
	s5 =	simm.s32 @!p2 $0x0  }
0x1d: {  	s5 =	simm.s32 @p1 $0x1;
	p0 =	seq.s32 s7, s2  }
0x1e: {  	s7 =	smul.u32 @!p0 $0xF7A, s2;
	p2 =	seq.s32 @!p0 s5, $0x0  }
0x1f: {  	s9 =	smul.u32 $0xF7A, s1;
	s8 =	simm.s32 @!p0 $0x1BF5;
	p2 =	por !p2, p0  }
0x20: {  	[sflag:s8] =	ssyncset.s32 @!p0 $0xFFFFF086;
	s6 =	sadd.s32 @!p0 s3, s7;
	s7 =	simm.s32 @!p0 $0x108  }
0x21: {  	s3 =	sadd.s32 s3, s9;
	s6 =	sadd.s32 @!p0 $0x88, s6;
	s7 =	simm.s32 @p2 $0x1082  }
0x22: {  	[simem:s7], [sflag:s8] =	dma.local @!p0 [hbm:s6], $0xF7A  }
0x23: {  	s9 =	sor.u32 $0xD0000000, s2;
	s6 =	simm.s32 $0x108;
	_ =	swait.ge @!p0 [sflag:s8], $0x0  }
0x24: {  	s3 =	sadd.s32 $0x88, s3;
	s6 =	simm.s32 @!p1 $0x1082;
	[sflag:s4] =	ssyncset.s32 $0xFFFFF086  }
0x25: {  	[simem:s6], [sflag:s4] =	dma.local [hbm:s3], $0xF7A  }
0x26: {  	[smem:$0x3F99] =	sst s1;
	(tag) =	ssettag s2;
	_ =	strace s9  }
0x27: {  	s1 =	sld [smem:$0x3FA9]  }
0x28: {  	s2 =	sld [smem:$0x3FAA]  }
0x29: {  	s4 =	sld [smem:$0x3FAC]  }
0x2a: {  	p0 =	seq.s32 s5, $0x0;
	s5 =	sld [smem:$0x3FAD]  }
0x2b: {  	s6 =	sld [smem:$0x3FAE]  }
0x2c: {  	s7 =	sld [smem:$0x3FAF]  }
0x2d: {  	s3 =	simm.s32 $0x108;
	s8 =	sld [smem:$0x3FB0]  }
0x2e: {  	s3 =	simm.s32 @!p0 $0x1082;
	s9 =	sld [smem:$0x3FB1]  }
0x2f: {  	lr =	sadd.s32 s0, s3;
	s0 =	sld [smem:$0x3FA8]  }
0x30: {  	s3 =	sld [smem:$0x3FAB]  }
0x31: {  	[smem:$0x3FB4] =	sst s10  }
0x32: {  	s10 =	sld [smem:$0x3FB2];
	_ =	sdelay $0x3  }
0x33: {  	p0 =	seq.s32 s10, $0x1;
	s10 =	sld [smem:$0x3FB4];
	_ =	sdelay $0x3  }
0x34: {  	[smem:$0x3FB4] =	sst s10  }
0x35: {  	s10 =	sld [smem:$0x3FB3];
	_ =	sdelay $0x3  }
0x36: {  	p1 =	seq.s32 s10, $0x1;
	s10 =	sld [smem:$0x3FB4];
	_ =	sdelay $0x3  }
0x37: {  	[smem:$0x3FB4] =	sst s10  }
0x38: {  	s10 =	sld [smem:$0x3FB5]  }
0x39: {  	_ = 	snop;
	(pc) =	sbr.ind lr, $3  }
0x3a: {  	_ = 	snop  }
0x3b: {  	_ = 	snop  }
0x3c: {  	p2 =	seq.s32 s10, $0x1;
	s10 =	sld [smem:$0x3FB4]  }
0x3d: {  	_ =	shalt  }
0x3e: {  	_ =	shalt  }
0x3f: {  	_ =	shalt  }
0x40: {  	_ =	shalt  }
0x41: {  	_ =	shalt  }
0x42: {  	_ =	shalt  }
0x43: {  	_ =	shalt  }
0x44: {  	_ =	shalt  }
0x45: {  	_ =	shalt  }
0x46: {  	_ =	shalt  }
0x47: {  	_ =	shalt  }
0x48: {  	_ =	shalt  }
0x49: {  	_ =	shalt  }
0x4a: {  	_ =	shalt  }
0x4b: {  	_ =	shalt  }
0x4c: {  	_ =	shalt  }
0x4d: {  	_ =	shalt  }
0x4e: {  	_ =	shalt  }
0x4f: {  	_ =	shalt  }
0x50: {  	_ =	shalt  }
0x51: {  	_ =	shalt  }
0x52: {  	_ =	shalt  }
0x53: {  	_ =	shalt  }
0x54: {  	_ =	shalt  }
0x55: {  	_ =	shalt  }
0x56: {  	_ =	shalt  }
0x57: {  	_ =	shalt  }
0x58: {  	_ =	shalt  }
0x59: {  	_ =	shalt  }
0x5a: {  	_ =	shalt  }
0x5b: {  	_ =	shalt  }
0x5c: {  	_ =	shalt  }
0x5d: {  	_ =	shalt  }
0x5e: {  	_ =	shalt  }
0x5f: {  	_ =	shalt  }
0x60: {  	_ =	shalt  }
0x61: {  	_ =	shalt  }
0x62: {  	_ =	shalt  }
0x63: {  	_ =	shalt  }
0x64: {  	_ =	shalt  }
0x65: {  	_ =	shalt  }
0x66: {  	_ =	shalt  }
0x67: {  	_ =	shalt  }
0x68: {  	_ =	shalt  }
0x69: {  	_ =	shalt  }
0x6a: {  	_ =	shalt  }
0x6b: {  	_ =	shalt  }
0x6c: {  	_ =	shalt  }
0x6d: {  	_ =	shalt  }
0x6e: {  	_ =	shalt  }
0x6f: {  	_ =	shalt  }
0x70: {  	_ =	shalt  }
0x71: {  	_ =	shalt  }
0x72: {  	_ =	shalt  }
0x73: {  	_ =	shalt  }
0x74: {  	_ =	shalt  }
0x75: {  	_ =	shalt  }
0x76: {  	_ =	shalt  }
0x77: {  	_ =	shalt  }
0x78: {  	_ =	shalt  }
0x79: {  	_ =	shalt  }
0x7a: {  	_ =	shalt  }
0x7b: {  	_ =	shalt  }
0x7c: {  	_ =	shalt  }
0x7d: {  	_ =	shalt  }
0x7e: {  	_ =	shalt  }
0x7f: {  	_ =	shalt  }
0x80: {  	_ =	shalt  }
0x81: {  	_ =	shalt  }
0x82: {  	_ =	shalt  }
0x83: {  	_ =	shalt  }
0x84: {  	_ =	shalt  }
0x85: {  	_ =	shalt  }
0x86: {  	_ =	shalt  }
0x87: {  	_ =	shalt  }
.Lfunc_end0:
.L_simem_size_0:
called_computation.2_lowered:
.L_overlay_start_0:
0x88: {  	s2 =	sld [smem:$0x3FD9]  }
0x89: {  	s3 =	sld [smem:$0x3FFE];
	_ =	sdelay $0x1  }
0x8a: {  	s1 =	srdreg.scid  }
0x8b: {  	s0 =	sand.u32 $0x1, s1  }
0x8c: {  	s14 =	sshll.u32 s0, $0xA;
	s2 =	sadd.s32 s3, s2  }
0x8d: {  	s2 =	sadd.s32 s2, s14  }
0x8e: {  	[smem:$0x3FC0] =	sst s2  }
0x8f: {  	_ = 	snop  }
0x90: {  	s2 =	sld [smem:$0x3FD0];
	_ =	sdelay $0x2  }
0x91: {  	s15 =	simm.s32 $0xA;
	s4 =	simm.s32 $0x10  }
0x92: {  	[smem:s4], [sflag:s15] =	dma.local [hbm:s2], $0x1  }
0x93: {  	_ =	swait.eq [sflag:s15], $0x1  }
0x94: {  	[sflag:s15] =	ssyncset.done $0x0  }
0x95: {  	[sflag:s15] =	ssyncadd.s32 $0xFFFFFFFF  }
0x96: {  	s16 =	sld [smem:$0x10];
	(tm) =	ssettm $0x1  }
0x97: {  	s17 =	sld [smem:$0x3FFB];
	_ =	sdelay $0x3  }
0x98: {  	_ =	strace s17  }
0x99: {  	s3 =	sld [smem:$0x3FFC];
	_ =	sdelay $0x3  }
0x9a: {  	_ =	strace s3  }
0x9b: {  	s3 =	sld [smem:$0x3FFD];
	_ =	sdelay $0x3  }
0x9c: {  	_ =	strace s3  }
0x9d: {  	_ =	strace $0x8FFFFFFF  }
0x9e: {  	s18 =	sld [smem:$0x3FDB];
	_ =	sdelay $0x1  }
0x9f: {  	s19 =	simm.s32 $_scs_section_size  }
0xa0: {  	s5 =	simm.s32 $_size__tile_overlayer_lowered;
	s6 =	simm.s32 $_tile_overlayer_lowered  }
0xa1: {  	s22 =	simm.s32 $0x1BFF;
	s21 =	sshll.u32 s6, $0x1;
	s3 =	sadd.s32 s19, s18  }
0xa2: {  	s7 =	simm.s32 $0x0;
	s20 =	sshll.u32 s5, $0x1;
	s5 =	sadd.s32 s21, s3  }
0xa3: {  	[timem:s7], [sflag:s22] =	dma.local [hbm:s5], s20  }
0xa4: {  	_ =	swait.ge [sflag:s22], s20  }
0xa5: {  	s4 =	ssub.s32 $0x0, s20;
	[sflag:s22] =	ssyncset.done $0x0  }
0xa6: {  	[sflag:s22] =	ssyncadd.s32 s4;
	_ =	sdelay $0x1  }
0xa7: {  	s23 =	simm.s32 $0x1B8B  }
0xa8: {  	_ =	swait.ge [sflag:s23], $0x1  }
0xa9: {  	[sflag:s23] =	ssyncset.done $0x0  }
0xaa: {  	s25 =	simm.s32 $0x1B8E;
	s24 =	sld [smem:$0x3FFE];
	[sflag:s23] =	ssyncadd.s32 $0xFFFFFFFF  }
0xab: {  	s26 =	simm.s32 $execute0_lowered;
	[smem:$0x3FD2] =	sst s25  }
0xac: {  	s5 =	sshll.u32 s26, $0x1;
	_ =	strace $0x8000004C;
	[dreg:$0x1] =	wrdreg $0xFFFFFFFF  }
0xad: {  	s28 =	simm.s32 $_size_execute0_lowered;
	s3 =	sadd.s32 s3, s5;
	[dreg:$0x0] =	wrdreg $0x0  }
0xae: {  	s5 =	sshll.u32 s28, $0x1;
	[dreg:$0x2] =	wrdreg s3  }
0xaf: {  	[dreg:$0x3] =	wrdreg s5  }
0xb0: {  	[dreg:$0x4] =	wrdreg $0xC0  }
0xb1: {  	_ =	task [dreg:s7], $0x5FFFF  }
0xb2: {  	[dreg:$0x1] =	wrdreg $0xFFFFFFFF  }
0xb3: {  	[dreg:$0x0] =	wrdreg $0x60  }
0xb4: {  	[dreg:$0x2] =	wrdreg s24  }
0xb5: {  	[dreg:$0x3] =	wrdreg s16  }
0xb6: {  	[dreg:$0x4] =	wrdreg $0x120000  }
0xb7: {  	[dreg:$0x5] =	wrdreg $0x9  }
0xb8: {  	_ =	task.clear_ibuf [dreg:s7], $0x6FFFF;
	_ =	strace $0x9000004C  }
0xb9: {  	s29 =	simm.s32 $0x9;
	_ =	strace $0x8000004E  }
0xba: {  	_ =	swait.ge [sflag:s29], $0x1  }
0xbb: {  	[sflag:s29] =	ssyncadd.s32 $0xFFFFFFFF  }
0xbc: {  	_ =	strace $0x9000004E  }
0xbd: {  	_ =	sfence  }
0xbe: {  	s30 =	sld [smem:$0x0];
	_ =	sdelay $0x2  }
0xbf: {  	s31 =	sshll.u32 s1, $0xD;
	s1 =	sshrl.u32 s1, $0x2  }
0xc0: {  	s3 =	sand.u32 $0x4000, s31;
	s1 =	sadd.s32 s1, s30  }
0xc1: {  	s0 =	sor.u32 s3, s0;
	s1 =	sshll.u32 s1, $0x11  }
0xc2: {  	s0 =	sor.u32 s1, s0  }
0xc3: {  	s0 =	sadd.s32 $0x8F2B, s0  }
0xc4: {  	[sflag:s0] =	ssyncadd.remote.s32 $0x1  }
0xc5: {  	_ =	sfence.sel $0xFFFF  }
0xc6: {  	[dreg:$0x0] =	wrdreg $0xFFFFFFFF;
	(pc) =	sbr.abs _section_cstart, $3  }
0xc7: {  	[dreg:$0x1] =	wrdreg $0xFFFFFFFF  }
0xc8: {  	_ =	task.clear_ibuf [dreg:s7], $0x2FFFF;
	_ =	strace $0x9FFFFFFF  }
0xc9: {  	(tm) =	ssettm $0x7FFFFFFF  }
tec
execute0_lowered:
.L_overlay_start_1:
0x0: {  	(tag) =	ssettag $0x1  }
0x1: {  	s0 =	rddreg [dreg:$0x0]  }
0x2: {  	s1 =	rddreg [dreg:$0x1]  }
0x3: {  	s3 =	srdreg.scid;
	s10 =	stileid.u32  }
0x4: {  	s2 =	rddreg [dreg:$0x2];
	s4 =	simm.s32 $0x0;
	s16 =	simm.s32 $0x5000  }
0x5: {  	s17 =	simm.s32 $0xA000;
	s18 =	simm.s32 $0xA;
	s29 =	simm.s32 $0x10000  }
0x6: {  	s30 =	simm.s32 $0x3;
	s31 =	simm.s32 $0x7;
	s5 =	smul.u32 $0x5000, s10  }
0x7: {  	s28 =	simm.s32 $0x5;
	s3 =	sand.u32 $0x1, s3;
	s8 =	smul.u32 $0x27800, s10  }
0x8: {  	[smem:$0x7FF] =	sst s4;
	s4 =	sadd.s32 $0x64A00, s0;
	s20 =	smul.u32 $0x9C00, s10  }
0x9: {  	s26 =	sadd.s32 $0x9E200, s2;
	p0 =	sne.s32 s10, $0xF;
	p1 =	seq.s32 s10, $0xF  }
0xa: {  	s6 =	smul.u32 $0x50000, s3;
	_ =	strace $0x8000004D;
	s7 =	ssub.s32 $0x2, s3  }
0xb: {  	s3 =	smul.u32 $0x9C400, s3;
	[dreg:$0xa] =	wrdreg s26;
	s26 =	simm.s32 $0x2  }
0xc: {  	s9 =	sshrl.u32 s7, $0x1;
	s8 =	sshrl.u32 s8, $0x2;
	s19 =	sshrl.u32 s5, $0x3  }
0xd: {  	s6 =	sadd.s32 s5, s6;
	s7 =	ssub.s32 s7, s9;
	s5 =	sadd.s32 s8, s2  }
0xe: {  	s1 =	sadd.s32 s1, s19;
	s24 =	sadd.s32 s20, s3;
	s3 =	sshrl.u32 s3, $0x3  }
0xf: {  	s19 =	simm.s32 $0x1;
	[dreg:$0x5] =	wrdreg s1;
	s21 =	sadd.s32 $0x2000, s5  }
0x10: {  	s6 =	sshrl.u32 s6, $0x3;
	s22 =	sadd.s32 $0x4000, s5;
	[dreg:$0x6] =	wrdreg s21  }
0x11: {  	s23 =	sadd.s32 $0x6000, s5;
	s25 =	sadd.s32 $0x8000, s5;
	[dreg:$0x7] =	wrdreg s22  }
0x12: {  	s1 =	sshrl.u32 s24, $0x3;
	s15 =	smax.u32 s7, $0x1;
	[dreg:$0x8] =	wrdreg s23  }
0x13: {  	s6 =	sadd.s32 s6, s0;
	s0 =	sadd.s32 $0x8BC00, s0;
	[dreg:$0x9] =	wrdreg s25  }
0x14: {  	s21 =	simm.s32 $0xC000;
	s23 =	simm.s32 $0xE000;
	s22 =	simm.s32 $0x4  }
.Ltmp0:
0x15: {  	s6 =	sadd.s32 $0x2800, s6;
	s13 =	sadd.s32 s0, s1;
	(pc) =	sbr.rel .LBB2_1-.Ltmp0, $4  }
0x16: {  	s0 =	sadd.s32 s0, s3;
	s1 =	sadd.s32 s20, s2;
	s20 =	simm.s32 $0x80  }
0x17: {  	s3 =	simm.s32 $0x9;
	[dreg:$0x4] =	wrdreg s6;
	s14 =	sadd.s32 $0x12480, s0  }
0x18: {  	s0 =	sadd.s32 $0x92400, s2;
	s25 =	sshrl.u32 @!p1 s1, $0x3;
	s1 =	simm.s32 $0x6  }
0x19: {  	v0 =	vimm.f32 $0.0e+00;
	s6 =	simm.s32 $0x0;
	s24 =	sshrl.u32 @p1 s0, $0x3;
	s0 =	simm.s32 $0x8  }
.LBB2_6:
0x1a: {  	_ =	swait.ge [sflag:s3], $0x2000  }
0x1b: {  	[sflag:s3] =	ssyncset.done $0x0  }
0x1c: {  	[sflag:s3] =	ssyncadd.s32 $0xFFFFE000  }
0x1d: {  	s7 =	simm.s32 @p1 $0x1FCA;
	[bflag:$0x0] =	sbarrier.arrive $0xFFFF  }
0x1e: {  	[hbm:s14], [sflag:s7] =	dma.local @p1 [spmem:s24], $0x1400  }
0x1f: {  	s7 =	simm.s32 @p1 $0xA  }
0x20: {  	s8 =	stileid.u32;
	_ =	swait.ge @p1 [sflag:s7], $0x1400  }
0x21: {  	s6 =	sadd.s32 $0x1, s6;
	s8 =	sshll.u32 @!p1 s8, $0x6;
	[sflag:s7] =	ssyncset.done @p1 $0x0  }
0x22: {  	p2 =	sne.s32 s6, s15;
	[sflag:s7] =	ssyncadd.s32 @p1 $0xFFFFEC00;
	s7 =	sor.u32 @!p1 $0x1C0A, s8  }
0x23: {  	[hbm:s13], [sflag:s7] =	dma.local @!p1 [spmem:s25], $0x1380  }
.Ltmp1:
0x24: {  	_ = 	snop;
	(pc) =	sbr.rel @!p2 .LBB2_7-.Ltmp1, $4  }
0x25: {  	s7 =	simm.s32 @!p1 $0xA  }
0x26: {  	_ =	swait.ge @!p1 [sflag:s7], $0x1380  }
0x27: {  	[sflag:s7] =	ssyncset.done @!p1 $0x0  }
0x28: {  	[sflag:s7] =	ssyncadd.s32 @!p1 $0xFFFFEC80  }
.LBB2_1:
0x29: {  	s7 =	simm.s32 $0x0;
	s8 =	rddreg [dreg:$0x4]  }
0x2a: {  	[tilespmem:s7], [sflag:$0x1] =	stream.linear.gather [hbm4b:s8+s7], $0x5000, $0x38;
	[tilespmem:$0x1C020] =	vst v63  }
0x2b: {  	s12 =	rddreg [dreg:$0x5]  }
0x2c: {  	[tilespmem:s16], [sflag:$0x1] =	stream.linear.gather [hbm4b:s12+s7], $0x5000, $0x38;
	[tilespmem:$0x1C020] =	vst v63  }
0x2d: {  	s8 =	simm.s32 $0x100;
	s7 =	simm.s32 $0x0  }
.LBB2_2:
0x2e: {  	p2 =	sne.s32 s8, $0x7F00;
	[tilespmem:s7+$0xA030] =	vst v0;
	s9 =	smov.u32 s8;
	s8 =	sadd.s32 $0x100, s8  }
.Ltmp2:
0x2f: {  	[tilespmem:s7+$0xA020] =	vst v0;
	(pc) =	sbr.rel @p2 .LBB2_2-.Ltmp2, $3  }
0x30: {  	[tilespmem:s7+$0xA000] =	vst v0  }
0x31: {  	[tilespmem:s7+$0xA010] =	vst v0;
	_ =	sdelay $0x1  }
0x32: {  	s7 =	sshra.s32 s9, $0x2  }
0x33: {  	[tilespmem:s7+$0xA030] =	vst v0  }
0x34: {  	[tilespmem:s7+$0xA020] =	vst v0  }
0x35: {  	[tilespmem:s7+$0xA000] =	vst v0  }
0x36: {  	[tilespmem:s7+$0xA010] =	vst v0  }
0x37: {  	[spmem:s5] =	stream.linear.scatter [tilespmem:s17], [sflag:$0xA], $0x2000, $0x38;
	[tilespmem:$0x1C020] =	vst v63  }
0x38: {  	_ =	swait.ge [sflag:s18], $0x2000  }
0x39: {  	[sflag:s18] =	ssyncset.done $0x0  }
0x3a: {  	s10 =	rddreg [dreg:$0x6];
	[sflag:s18] =	ssyncadd.s32 $0xFFFFE000  }
0x3b: {  	[spmem:s10] =	stream.linear.scatter [tilespmem:s17], [sflag:$0xA], $0x2000, $0x38;
	[tilespmem:$0x1C020] =	vst v63  }
0x3c: {  	_ =	swait.ge [sflag:s18], $0x2000  }
0x3d: {  	[sflag:s18] =	ssyncset.done $0x0  }
0x3e: {  	s11 =	rddreg [dreg:$0x7];
	[sflag:s18] =	ssyncadd.s32 $0xFFFFE000  }
0x3f: {  	[spmem:s11] =	stream.linear.scatter [tilespmem:s17], [sflag:$0xA], $0x2000, $0x38;
	[tilespmem:$0x1C020] =	vst v63  }
0x40: {  	_ =	swait.ge [sflag:s18], $0x2000  }
0x41: {  	[sflag:s18] =	ssyncset.done $0x0  }
0x42: {  	s12 =	rddreg [dreg:$0x8];
	[sflag:s18] =	ssyncadd.s32 $0xFFFFE000  }
0x43: {  	[spmem:s12] =	stream.linear.scatter [tilespmem:s17], [sflag:$0xA], $0x2000, $0x38;
	[tilespmem:$0x1C020] =	vst v63  }
0x44: {  	_ =	swait.ge [sflag:s18], $0x2000  }
0x45: {  	[sflag:s18] =	ssyncset.done $0x0  }
0x46: {  	s8 =	rddreg [dreg:$0x9];
	[sflag:s18] =	ssyncadd.s32 $0xFFFFE000  }
0x47: {  	[spmem:s8] =	stream.linear.scatter [tilespmem:s17], [sflag:$0xA], $0x2000, $0x38;
	[tilespmem:$0x1C020] =	vst v63  }
0x48: {  	_ =	swait.ge [sflag:s18], $0x2000  }
0x49: {  	[sflag:s18] =	ssyncset.done $0x0  }
0x4a: {  	s7 =	simm.s32 @!p0 $0xA000;
	s8 =	rddreg [dreg:$0xa];
	[sflag:s18] =	ssyncadd.s32 $0xFFFFE000  }
0x4b: {  	[spmem:s8] =	stream.linear.scatter @!p0 [tilespmem:s7], [sflag:$0xA], $0x2000, $0x38;
	[tilespmem:$0x1C020] =	vst v63  }
0x4c: {  	s7 =	simm.s32 @!p0 $0xA  }
0x4d: {  	_ =	swait.ge @!p0 [sflag:s7], $0x2000  }
0x4e: {  	[sflag:s7] =	ssyncset.done @!p0 $0x0  }
0x4f: {  	[sflag:s7] =	ssyncadd.s32 @!p0 $0xFFFFE000  }
0x50: {  	_ =	swait.ge [sflag:s19], $0x5000  }
0x51: {  	[sflag:s19] =	ssyncset.done $0x0  }
0x52: {  	[sflag:s19] =	ssyncadd.s32 $0xFFFFB000  }
0x53: {  	_ =	swait.ge [sflag:s19], $0x5000  }
0x54: {  	[sflag:s19] =	ssyncset.done $0x0  }
0x55: {  	[sflag:s19] =	ssyncadd.s32 $0xFFFFB000  }
0x56: {  	s7 =	simm.s32 $0x0;
	[bflag:$0x0] =	sbarrier.arrive $0xFFFF  }
0x57: {  	[tilespmem:s17], [sflag:$0x2] =	stream.indirect.gather [hbm4b:s4+s20], $0x40, s7, s20, $0xb8;
	[tilespmem:$0x1C020] =	vst v63  }
0x58: {  	_ = 	snop  }
0x59: {  	[tilespmem:s21], [sflag:$0x3] =	stream.indirect.gather [hbm4b:s4+s20], $0x40, s20, s20, $0xb8;
	[tilespmem:$0x1C020] =	vst v63  }
0x5a: {  	s9 =	simm.s32 $0x100  }
0x5b: {  	[tilespmem:s23], [sflag:$0x4] =	stream.indirect.gather [hbm4b:s4+s20], $0x40, s9, s20, $0xb8;
	[tilespmem:$0x1C020] =	vst v63  }
0x5c: {  	_ =	swait.ge [sflag:s26], $0x2000  }
0x5d: {  	[sflag:s26] =	ssyncset.done $0x0  }
0x5e: {  	[sflag:s26] =	ssyncadd.s32 $0xFFFFE000  }
0x5f: {  	[spmem:s2] =	stream.indirect.scatter.add.f32 [tilespmem:s17], [sflag:$0x6], $0x40, s16, s20, $0xb8;
	[tilespmem:$0x1C020] =	vst v63  }
0x60: {  	s10 =	simm.s32 $0x180  }
0x61: {  	[tilespmem:s29], [sflag:$0x5] =	stream.indirect.gather [hbm4b:s4+s20], $0x40, s10, s20, $0xb8;
	[tilespmem:$0x1C020] =	vst v63  }
0x62: {  	_ =	swait.ge [sflag:s30], $0x2000  }
0x63: {  	[sflag:s30] =	ssyncset.done $0x0  }
0x64: {  	s11 =	simm.s32 $0x5080;
	[sflag:s30] =	ssyncadd.s32 $0xFFFFE000  }
0x65: {  	[spmem:s2] =	stream.indirect.scatter.add.f32 [tilespmem:s21], [sflag:$0x7], $0x40, s11, s20, $0xb8;
	[tilespmem:$0x1C020] =	vst v63  }
0x66: {  	_ =	swait.ge [sflag:s1], $0x2000  }
0x67: {  	[sflag:s1] =	ssyncset.done $0x0  }
0x68: {  	s12 =	simm.s32 $0x200;
	[sflag:s1] =	ssyncadd.s32 $0xFFFFE000  }
0x69: {  	[tilespmem:s17], [sflag:$0x2] =	stream.indirect.gather [hbm4b:s4+s20], $0x40, s12, s20, $0xb8;
	[tilespmem:$0x1C020] =	vst v63  }
0x6a: {  	_ =	swait.ge [sflag:s22], $0x2000  }
0x6b: {  	[sflag:s22] =	ssyncset.done $0x0  }
0x6c: {  	s9 =	simm.s32 $0x5100;
	[sflag:s22] =	ssyncadd.s32 $0xFFFFE000  }
0x6d: {  	[spmem:s2] =	stream.indirect.scatter.add.f32 [tilespmem:s23], [sflag:$0x8], $0x40, s9, s20, $0xb8;
	[tilespmem:$0x1C020] =	vst v63  }
0x6e: {  	_ =	swait.ge [sflag:s31], $0x2000  }
0x6f: {  	[sflag:s31] =	ssyncset.done $0x0  }
0x70: {  	s10 =	simm.s32 $0x280;
	[sflag:s31] =	ssyncadd.s32 $0xFFFFE000  }
0x71: {  	[tilespmem:s21], [sflag:$0x3] =	stream.indirect.gather [hbm4b:s4+s20], $0x40, s10, s20, $0xb8;
	[tilespmem:$0x1C020] =	vst v63  }
0x72: {  	_ =	swait.ge [sflag:s28], $0x2000  }
0x73: {  	[sflag:s28] =	ssyncset.done $0x0  }
0x74: {  	s11 =	simm.s32 $0x5180;
	[sflag:s28] =	ssyncadd.s32 $0xFFFFE000  }
0x75: {  	[spmem:s2] =	stream.indirect.scatter.add.f32 [tilespmem:s29], [sflag:$0x9], $0x40, s11, s20, $0xb8;
	[tilespmem:$0x1C020] =	vst v63  }
0x76: {  	_ =	swait.ge [sflag:s0], $0x2000  }
0x77: {  	[sflag:s0] =	ssyncset.done $0x0  }
0x78: {  	s12 =	simm.s32 $0x300;
	[sflag:s0] =	ssyncadd.s32 $0xFFFFE000  }
0x79: {  	[tilespmem:s23], [sflag:$0x4] =	stream.indirect.gather [hbm4b:s4+s20], $0x40, s12, s20, $0xb8;
	[tilespmem:$0x1C020] =	vst v63  }
.LBB2_4:
0x7a: {  	_ =	swait.ge [sflag:s26], $0x2000  }
0x7b: {  	s8 =	sshra.s32 s7, $0x2;
	[sflag:s26] =	ssyncset.done $0x0  }
0x7c: {  	s9 =	sadd.s32 $0x5200, s8;
	[sflag:s26] =	ssyncadd.s32 $0xFFFFE000  }
0x7d: {  	[spmem:s2] =	stream.indirect.scatter.add.f32 [tilespmem:s17], [sflag:$0x6], $0x40, s9, s20, $0xb8;
	[tilespmem:$0x1C020] =	vst v63  }
0x7e: {  	_ =	swait.ge [sflag:s3], $0x2000  }
0x7f: {  	[sflag:s3] =	ssyncset.done $0x0  }
0x80: {  	s10 =	sadd.s32 $0x380, s8;
	[sflag:s3] =	ssyncadd.s32 $0xFFFFE000  }
0x81: {  	[tilespmem:s29], [sflag:$0x5] =	stream.indirect.gather [hbm4b:s4+s20], $0x40, s10, s20, $0xb8;
	[tilespmem:$0x1C020] =	vst v63  }
0x82: {  	_ =	swait.ge [sflag:s30], $0x2000  }
0x83: {  	[sflag:s30] =	ssyncset.done $0x0  }
0x84: {  	s11 =	sadd.s32 $0x5280, s8;
	[sflag:s30] =	ssyncadd.s32 $0xFFFFE000  }
0x85: {  	[spmem:s2] =	stream.indirect.scatter.add.f32 [tilespmem:s21], [sflag:$0x7], $0x40, s11, s20, $0xb8;
	[tilespmem:$0x1C020] =	vst v63  }
0x86: {  	_ =	swait.ge [sflag:s1], $0x2000  }
0x87: {  	p2 =	seq.s32 s7, $0x13000;
	[sflag:s1] =	ssyncset.done $0x0  }
0x88: {  	s9 =	simm.s32 @p2 $0x4;
	[sflag:s1] =	ssyncadd.s32 $0xFFFFE000  }
0x89: {  	_ =	swait.ge @p2 [sflag:s9], $0x2000  }
0x8a: {  	[sflag:s9] =	ssyncset.done @p2 $0x0  }
0x8b: {  	[sflag:s9] =	ssyncadd.s32 @p2 $0xFFFFE000;
	s9 =	sshra.s32 @p2 s7, $0x2  }
0x8c: {  	s10 =	simm.s32 @p2 $0x80;
	s11 =	simm.s32 @p2 $0xE000;
	s9 =	sadd.s32 @p2 $0x5300, s9  }
0x8d: {  	[spmem:s2] =	stream.indirect.scatter.add.f32 @p2 [tilespmem:s11], [sflag:$0x8], $0x40, s9, s10, $0xb8;
	[tilespmem:$0x1C020] =	vst v63  }
0x8e: {  	s9 =	simm.s32 @p2 $0x7  }
0x8f: {  	_ =	swait.ge @p2 [sflag:s9], $0x2000  }
0x90: {  	[sflag:s9] =	ssyncset.done @p2 $0x0  }
0x91: {  	[sflag:s9] =	ssyncadd.s32 @p2 $0xFFFFE000;
	s9 =	sshra.s32 @!p2 s7, $0x2  }
0x92: {  	s12 =	simm.s32 @!p2 $0xA000;
	s11 =	simm.s32 @!p2 $0x80;
	s10 =	sadd.s32 @!p2 $0x400, s9  }
0x93: {  	[tilespmem:s12], [sflag:$0x2] =	stream.indirect.gather @!p2 [hbm4b:s4+s11], $0x40, s10, s11, $0xb8;
	[tilespmem:$0x1C020] =	vst v63  }
0x94: {  	s10 =	simm.s32 @!p2 $0x4  }
0x95: {  	_ =	swait.ge @!p2 [sflag:s10], $0x2000  }
0x96: {  	[sflag:s10] =	ssyncset.done @!p2 $0x0  }
0x97: {  	s12 =	simm.s32 @!p2 $0xE000;
	[sflag:s10] =	ssyncadd.s32 @!p2 $0xFFFFE000;
	s10 =	sadd.s32 @!p2 $0x5300, s9  }
0x98: {  	[spmem:s2] =	stream.indirect.scatter.add.f32 @!p2 [tilespmem:s12], [sflag:$0x8], $0x40, s10, s11, $0xb8;
	[tilespmem:$0x1C020] =	vst v63  }
0x99: {  	s10 =	simm.s32 @!p2 $0x7  }
0x9a: {  	_ =	swait.ge @!p2 [sflag:s10], $0x2000  }
0x9b: {  	[sflag:s10] =	ssyncset.done @!p2 $0x0  }
0x9c: {  	s9 =	sadd.s32 @!p2 $0x480, s9;
	[sflag:s10] =	ssyncadd.s32 @!p2 $0xFFFFE000;
	s10 =	simm.s32 @!p2 $0xC000  }
0x9d: {  	[tilespmem:s10], [sflag:$0x3] =	stream.indirect.gather @!p2 [hbm4b:s4+s11], $0x40, s9, s11, $0xb8;
	[tilespmem:$0x1C020] =	vst v63  }
0x9e: {  	_ =	swait.ge [sflag:s28], $0x2000  }
0x9f: {  	[sflag:s28] =	ssyncset.done $0x0  }
.Ltmp3:
0xa0: {  	s12 =	sadd.s32 $0x5380, s8;
	[sflag:s28] =	ssyncadd.s32 $0xFFFFE000;
	(pc) =	sbr.rel @p2 .LBB2_6-.Ltmp3, $4  }
0xa1: {  	[spmem:s2] =	stream.indirect.scatter.add.f32 [tilespmem:s29], [sflag:$0x9], $0x40, s12, s20, $0xb8;
	[tilespmem:$0x1C020] =	vst v63  }
0xa2: {  	_ =	swait.ge [sflag:s0], $0x2000  }
0xa3: {  	[sflag:s0] =	ssyncset.done $0x0  }
0xa4: {  	[sflag:s0] =	ssyncadd.s32 $0xFFFFE000  }
.Ltmp4:
0xa5: {  	(pc) =	sbr.rel .LBB2_4-.Ltmp4, $3  }
0xa6: {  	_ =	sdelay $0x1  }
0xa7: {  	s8 =	sadd.s32 $0x500, s8;
	s7 =	sadd.s32 $0x800, s7  }
0xa8: {  	[tilespmem:s23], [sflag:$0x4] =	stream.indirect.gather [hbm4b:s4+s20], $0x40, s8, s20, $0xb8;
	[tilespmem:$0x1C020] =	vst v63  }
.LBB2_7:
0xa9: {  	_ =	sfence.sel $0x180000  }
0xaa: {  	[bflag:$0x0] =	sbarrier.arrive $0xFFFF  }
0xab: {  	_ =	strace $0x9000004D  }
0xac: {  	s0 =	stileid.u32;
	[bflag:$0x2] =	sbarrier.arrive $0xFFFF  }
0xad: {  	p0 =	sne.s32 s0, $0x0;
	s0 =	rddreg [dreg:$0x3]  }
0xae: {  	s0 =	sadd.s32 @!p0 $0x100000, s0  }
0xaf: {  	[sflag:s0] =	ssyncadd.tile.s32 @!p0 $0x1;
	_ =	shalt  }
.Lfunc_end2:
_tile_overlayer_lowered:
.L_overlay_start_2:
0xb0: {  	(tag) =	ssettag $0x2  }
0xb1: {  	s0 =	rddreg [dreg:$0x0];
	s2 =	stileid.u32  }
0xb2: {  	s1 =	rddreg [dreg:$0x1];
	p0 =	sne.s32 s2, $0x0  }
0xb3: {  	s3 =	rddreg [dreg:$0x2];
	[bflag:$0x3] =	sbarrier.arrive $0xFFFF;
	s2 =	simm.s32 @!p0 $0x1C0A  }
0xb4: {  	[timem:s3], [sflag:s2] =	dma.local @!p0 [hbm:s0], s1  }
0xb5: {  	s0 =	simm.s32 @!p0 $0xA  }
0xb6: {  	_ =	swait.ge @!p0 [sflag:s0], s1  }
0xb7: {  	s1 =	ssub.s32 @!p0 $0x0, s1;
	[sflag:s0] =	ssyncset.done @!p0 $0x0  }
0xb8: {  	[sflag:s0] =	ssyncadd.s32 @!p0 s1  }
0xb9: {  	[bflag:$0x3] =	sbarrier.arrive $0xFFFF  }
0xba: {  	_ =	shalt  }

// kernel: kernel.8.cloned.1.call-start
scs
__scs_entry_jumppad:
0x0: {  	(pc) =	sbr.rel $0x88, $3  }
0x1: {  	(tag) =	ssettag $0x0;
	lr =	simm.s32 $0x1  }
0x2: {  	[smem:$0x3F99] =	sst lr;
	_ =	strace $0xD0000000  }
0x3: {  	_ = 	snop  }
0x4: {  	_ = 	snop  }
0x5: {  	_ = 	snop  }
0x6: {  	_ = 	snop  }
0x7: {  	_ = 	snop  }
__scs_overlays_trampoline_lowered:
0x8: {  	[smem:$0x3FA8] =	sst s0  }
0x9: {  	[smem:$0x3FA9] =	sst s1  }
0xa: {  	[smem:$0x3FAA] =	sst s2  }
0xb: {  	[smem:$0x3FAB] =	sst s3  }
0xc: {  	[smem:$0x3FAC] =	sst s4  }
0xd: {  	[smem:$0x3FAD] =	sst s5  }
0xe: {  	[smem:$0x3FAE] =	sst s6  }
0xf: {  	[smem:$0x3FAF] =	sst s7  }
0x10: {  	[smem:$0x3FB0] =	sst s8  }
0x11: {  	[smem:$0x3FB1] =	sst s9;
	s0 =	simm.s32 @!p0 $0x0  }
0x12: {  	s1 =	sld [smem:$0x3F97];
	s0 =	simm.s32 @p0 $0x1  }
0x13: {  	[smem:$0x3FB2] =	sst s0;
	s0 =	simm.s32 @!p1 $0x0  }
0x14: {  	s2 =	sld [smem:$0x3F96];
	s0 =	simm.s32 @p1 $0x1  }
0x15: {  	[smem:$0x3FB3] =	sst s0;
	s0 =	simm.s32 @!p2 $0x0  }
0x16: {  	s3 =	sld [smem:$0x3FDB];
	s0 =	simm.s32 @p2 $0x1  }
0x17: {  	s4 =	simm.s32 $0x1BF5;
	[smem:$0x3FB5] =	sst s0  }
0x18: {  	s0 =	sld [smem:$0x3F98];
	_ =	swait.ge [sflag:s4], $0x0  }
0x19: {  	s7 =	sld [smem:$0x3F99]  }
0x1a: {  	s8 =	sadd.s32 $0xFFFFE003, lr  }
0x1b: {  	s9 =	sadd.s32 $0xFFFFFEF7, lr;
	s5 =	simm.s32 $0xFFFFFFFF;
	p2 =	slt.u32 s8, $0xFFFFF086  }
0x1c: {  	p1 =	slt.u32 s9, $0xF7A;
	s5 =	simm.s32 @!p2 $0x0  }
0x1d: {  	s5 =	simm.s32 @p1 $0x1;
	p0 =	seq.s32 s7, s2  }
0x1e: {  	s7 =	smul.u32 @!p0 $0xF7A, s2;
	p2 =	seq.s32 @!p0 s5, $0x0  }
0x1f: {  	s9 =	smul.u32 $0xF7A, s1;
	s8 =	simm.s32 @!p0 $0x1BF5;
	p2 =	por !p2, p0  }
0x20: {  	[sflag:s8] =	ssyncset.s32 @!p0 $0xFFFFF086;
	s6 =	sadd.s32 @!p0 s3, s7;
	s7 =	simm.s32 @!p0 $0x108  }
0x21: {  	s3 =	sadd.s32 s3, s9;
	s6 =	sadd.s32 @!p0 $0x88, s6;
	s7 =	simm.s32 @p2 $0x1082  }
0x22: {  	[simem:s7], [sflag:s8] =	dma.local @!p0 [hbm:s6], $0xF7A  }
0x23: {  	s9 =	sor.u32 $0xD0000000, s2;
	s6 =	simm.s32 $0x108;
	_ =	swait.ge @!p0 [sflag:s8], $0x0  }
0x24: {  	s3 =	sadd.s32 $0x88, s3;
	s6 =	simm.s32 @!p1 $0x1082;
	[sflag:s4] =	ssyncset.s32 $0xFFFFF086  }
0x25: {  	[simem:s6], [sflag:s4] =	dma.local [hbm:s3], $0xF7A  }
0x26: {  	[smem:$0x3F99] =	sst s1;
	(tag) =	ssettag s2;
	_ =	strace s9  }
0x27: {  	s1 =	sld [smem:$0x3FA9]  }
0x28: {  	s2 =	sld [smem:$0x3FAA]  }
0x29: {  	s4 =	sld [smem:$0x3FAC]  }
0x2a: {  	p0 =	seq.s32 s5, $0x0;
	s5 =	sld [smem:$0x3FAD]  }
0x2b: {  	s6 =	sld [smem:$0x3FAE]  }
0x2c: {  	s7 =	sld [smem:$0x3FAF]  }
0x2d: {  	s3 =	simm.s32 $0x108;
	s8 =	sld [smem:$0x3FB0]  }
0x2e: {  	s3 =	simm.s32 @!p0 $0x1082;
	s9 =	sld [smem:$0x3FB1]  }
0x2f: {  	lr =	sadd.s32 s0, s3;
	s0 =	sld [smem:$0x3FA8]  }
0x30: {  	s3 =	sld [smem:$0x3FAB]  }
0x31: {  	[smem:$0x3FB4] =	sst s10  }
0x32: {  	s10 =	sld [smem:$0x3FB2];
	_ =	sdelay $0x3  }
0x33: {  	p0 =	seq.s32 s10, $0x1;
	s10 =	sld [smem:$0x3FB4];
	_ =	sdelay $0x3  }
0x34: {  	[smem:$0x3FB4] =	sst s10  }
0x35: {  	s10 =	sld [smem:$0x3FB3];
	_ =	sdelay $0x3  }
0x36: {  	p1 =	seq.s32 s10, $0x1;
	s10 =	sld [smem:$0x3FB4];
	_ =	sdelay $0x3  }
0x37: {  	[smem:$0x3FB4] =	sst s10  }
0x38: {  	s10 =	sld [smem:$0x3FB5]  }
0x39: {  	_ = 	snop;
	(pc) =	sbr.ind lr, $3  }
0x3a: {  	_ = 	snop  }
0x3b: {  	_ = 	snop  }
0x3c: {  	p2 =	seq.s32 s10, $0x1;
	s10 =	sld [smem:$0x3FB4]  }
0x3d: {  	_ =	shalt  }
0x3e: {  	_ =	shalt  }
0x3f: {  	_ =	shalt  }
0x40: {  	_ =	shalt  }
0x41: {  	_ =	shalt  }
0x42: {  	_ =	shalt  }
0x43: {  	_ =	shalt  }
0x44: {  	_ =	shalt  }
0x45: {  	_ =	shalt  }
0x46: {  	_ =	shalt  }
0x47: {  	_ =	shalt  }
0x48: {  	_ =	shalt  }
0x49: {  	_ =	shalt  }
0x4a: {  	_ =	shalt  }
0x4b: {  	_ =	shalt  }
0x4c: {  	_ =	shalt  }
0x4d: {  	_ =	shalt  }
0x4e: {  	_ =	shalt  }
0x4f: {  	_ =	shalt  }
0x50: {  	_ =	shalt  }
0x51: {  	_ =	shalt  }
0x52: {  	_ =	shalt  }
0x53: {  	_ =	shalt  }
0x54: {  	_ =	shalt  }
0x55: {  	_ =	shalt  }
0x56: {  	_ =	shalt  }
0x57: {  	_ =	shalt  }
0x58: {  	_ =	shalt  }
0x59: {  	_ =	shalt  }
0x5a: {  	_ =	shalt  }
0x5b: {  	_ =	shalt  }
0x5c: {  	_ =	shalt  }
0x5d: {  	_ =	shalt  }
0x5e: {  	_ =	shalt  }
0x5f: {  	_ =	shalt  }
0x60: {  	_ =	shalt  }
0x61: {  	_ =	shalt  }
0x62: {  	_ =	shalt  }
0x63: {  	_ =	shalt  }
0x64: {  	_ =	shalt  }
0x65: {  	_ =	shalt  }
0x66: {  	_ =	shalt  }
0x67: {  	_ =	shalt  }
0x68: {  	_ =	shalt  }
0x69: {  	_ =	shalt  }
0x6a: {  	_ =	shalt  }
0x6b: {  	_ =	shalt  }
0x6c: {  	_ =	shalt  }
0x6d: {  	_ =	shalt  }
0x6e: {  	_ =	shalt  }
0x6f: {  	_ =	shalt  }
0x70: {  	_ =	shalt  }
0x71: {  	_ =	shalt  }
0x72: {  	_ =	shalt  }
0x73: {  	_ =	shalt  }
0x74: {  	_ =	shalt  }
0x75: {  	_ =	shalt  }
0x76: {  	_ =	shalt  }
0x77: {  	_ =	shalt  }
0x78: {  	_ =	shalt  }
0x79: {  	_ =	shalt  }
0x7a: {  	_ =	shalt  }
0x7b: {  	_ =	shalt  }
0x7c: {  	_ =	shalt  }
0x7d: {  	_ =	shalt  }
0x7e: {  	_ =	shalt  }
0x7f: {  	_ =	shalt  }
0x80: {  	_ =	shalt  }
0x81: {  	_ =	shalt  }
0x82: {  	_ =	shalt  }
0x83: {  	_ =	shalt  }
0x84: {  	_ =	shalt  }
0x85: {  	_ =	shalt  }
0x86: {  	_ =	shalt  }
0x87: {  	_ =	shalt  }
.Lfunc_end0:
.L_simem_size_0:
called_computation_lowered:
.L_overlay_start_0:
0x88: {  	s2 =	sld [smem:$0x3FD9]  }
0x89: {  	s3 =	sld [smem:$0x3FFE];
	_ =	sdelay $0x1  }
0x8a: {  	s1 =	srdreg.scid  }
0x8b: {  	s0 =	sand.u32 $0x1, s1  }
0x8c: {  	s14 =	sshll.u32 s0, $0xA;
	s2 =	sadd.s32 s3, s2  }
0x8d: {  	s2 =	sadd.s32 s2, s14  }
0x8e: {  	[smem:$0x3FC0] =	sst s2  }
0x8f: {  	_ = 	snop  }
0x90: {  	s2 =	sld [smem:$0x3FD0];
	_ =	sdelay $0x2  }
0x91: {  	s15 =	simm.s32 $0xA;
	s4 =	simm.s32 $0x10  }
0x92: {  	[smem:s4], [sflag:s15] =	dma.local [hbm:s2], $0x1  }
0x93: {  	_ =	swait.eq [sflag:s15], $0x1  }
0x94: {  	[sflag:s15] =	ssyncset.done $0x0  }
0x95: {  	[sflag:s15] =	ssyncadd.s32 $0xFFFFFFFF  }
0x96: {  	s16 =	sld [smem:$0x11];
	(tm) =	ssettm $0x1  }
0x97: {  	s17 =	sld [smem:$0x3FFB];
	_ =	sdelay $0x3  }
0x98: {  	_ =	strace s17  }
0x99: {  	s3 =	sld [smem:$0x3FFC];
	_ =	sdelay $0x3  }
0x9a: {  	_ =	strace s3  }
0x9b: {  	s3 =	sld [smem:$0x3FFD];
	_ =	sdelay $0x3  }
0x9c: {  	_ =	strace s3  }
0x9d: {  	_ =	strace $0x8FFFFFFF  }
0x9e: {  	s18 =	sld [smem:$0x3FDB];
	_ =	sdelay $0x1  }
0x9f: {  	s19 =	simm.s32 $_scs_section_size  }
0xa0: {  	s5 =	simm.s32 $_size__tile_overlayer_lowered;
	s6 =	simm.s32 $_tile_overlayer_lowered  }
0xa1: {  	s22 =	simm.s32 $0x1BFF;
	s21 =	sshll.u32 s6, $0x1;
	s3 =	sadd.s32 s19, s18  }
0xa2: {  	s7 =	simm.s32 $0x0;
	s20 =	sshll.u32 s5, $0x1;
	s5 =	sadd.s32 s21, s3  }
0xa3: {  	[timem:s7], [sflag:s22] =	dma.local [hbm:s5], s20  }
0xa4: {  	_ =	swait.ge [sflag:s22], s20  }
0xa5: {  	s4 =	ssub.s32 $0x0, s20;
	[sflag:s22] =	ssyncset.done $0x0  }
0xa6: {  	[sflag:s22] =	ssyncadd.s32 s4;
	_ =	sdelay $0x1  }
0xa7: {  	s23 =	simm.s32 $0x1B8B  }
0xa8: {  	_ =	swait.ge [sflag:s23], $0x1  }
0xa9: {  	[sflag:s23] =	ssyncset.done $0x0  }
0xaa: {  	s25 =	simm.s32 $0x1B8E;
	s24 =	sld [smem:$0x3FFE];
	[sflag:s23] =	ssyncadd.s32 $0xFFFFFFFF  }
0xab: {  	s26 =	simm.s32 $execute0_lowered;
	[smem:$0x3FD2] =	sst s25  }
0xac: {  	s5 =	sshll.u32 s26, $0x1;
	_ =	strace $0x80000046;
	[dreg:$0x1] =	wrdreg $0xFFFFFFFF  }
0xad: {  	s28 =	simm.s32 $_size_execute0_lowered;
	s3 =	sadd.s32 s3, s5;
	[dreg:$0x0] =	wrdreg $0x0  }
0xae: {  	s5 =	sshll.u32 s28, $0x1;
	[dreg:$0x2] =	wrdreg s3  }
0xaf: {  	[dreg:$0x3] =	wrdreg s5  }
0xb0: {  	[dreg:$0x4] =	wrdreg $0xC0  }
0xb1: {  	_ =	task [dreg:s7], $0x5FFFF  }
0xb2: {  	[dreg:$0x1] =	wrdreg $0xFFFFFFFF  }
0xb3: {  	[dreg:$0x0] =	wrdreg $0x60  }
0xb4: {  	[dreg:$0x2] =	wrdreg s16  }
0xb5: {  	[dreg:$0x3] =	wrdreg s24  }
0xb6: {  	[dreg:$0x4] =	wrdreg $0x50800  }
0xb7: {  	[dreg:$0x5] =	wrdreg $0x9  }
0xb8: {  	_ =	task.clear_ibuf [dreg:s7], $0x6FFFF;
	_ =	strace $0x90000046  }
0xb9: {  	s29 =	simm.s32 $0x9;
	_ =	strace $0x80000048  }
0xba: {  	_ =	swait.ge [sflag:s29], $0x1  }
0xbb: {  	[sflag:s29] =	ssyncadd.s32 $0xFFFFFFFF  }
0xbc: {  	_ =	strace $0x90000048  }
0xbd: {  	_ =	sfence  }
0xbe: {  	s30 =	sld [smem:$0x0];
	_ =	sdelay $0x2  }
0xbf: {  	s31 =	sshll.u32 s1, $0xD;
	s1 =	sshrl.u32 s1, $0x2  }
0xc0: {  	s3 =	sand.u32 $0x4000, s31;
	s1 =	sadd.s32 s1, s30  }
0xc1: {  	s0 =	sor.u32 s3, s0;
	s1 =	sshll.u32 s1, $0x11  }
0xc2: {  	s0 =	sor.u32 s1, s0  }
0xc3: {  	s0 =	sadd.s32 $0x8F2B, s0  }
0xc4: {  	[sflag:s0] =	ssyncadd.remote.s32 $0x1  }
0xc5: {  	_ =	sfence.sel $0xFFFF  }
0xc6: {  	[dreg:$0x0] =	wrdreg $0xFFFFFFFF;
	(pc) =	sbr.abs _section_cstart, $3  }
0xc7: {  	[dreg:$0x1] =	wrdreg $0xFFFFFFFF  }
0xc8: {  	_ =	task.clear_ibuf [dreg:s7], $0x2FFFF;
	_ =	strace $0x9FFFFFFF  }
0xc9: {  	(tm) =	ssettm $0x7FFFFFFF  }
tec
execute0_lowered:
.L_overlay_start_1:
0x0: {  	(tag) =	ssettag $0x1  }
0x1: {  	s3 =	rddreg [dreg:$0x0]  }
0x2: {  	s4 =	rddreg [dreg:$0x1];
	s0 =	srdreg.scid  }
0x3: {  	s1 =	rddreg [dreg:$0x2];
	s6 =	stileid.u32  }
0x4: {  	s2 =	simm.s32 $0x0;
	s9 =	simm.s32 $0x80;
	s10 =	simm.s32 $0x2800  }
0x5: {  	s12 =	simm.s32 $0x0;
	s5 =	sand.u32 $0x1, s0;
	s0 =	rddreg [dreg:$0x3]  }
0x6: {  	[smem:$0x7FF] =	sst s2;
	p0 =	sne.s32 s6, $0x0;
	s7 =	sshll.u32 s5, $0x4  }
0x7: {  	s8 =	smul.u32 $0x500, s5;
	s5 =	ssub.s32 $0x2, s5;
	_ =	strace $0x80000047  }
0x8: {  	s11 =	sshrl.u32 @!p0 s1, $0x3;
	s7 =	sor.u32 s6, s7;
	s31 =	sshrl.u32 s5, $0x1  }
0x9: {  	s6 =	simm.s32 $0x2880;
	s7 =	smul.u32 $0x500, s7;
	s4 =	sadd.s32 s8, s4  }
0xa: {  	s5 =	ssub.s32 s5, s31;
	s8 =	simm.s32 $0x1;
	s4 =	sadd.s32 $0x1E00, s4  }
0xb: {  	v0 =	vimm.f32 $1.000000000e+00;
	v1 =	vimm.f32 $0.0e+00;
	s5 =	smax.u32 s5, $0x1;
	s3 =	sadd.s32 s3, s7;
	s7 =	simm.s32 $0x2  }
.LBB2_1:
0xc: {  	[tilespmem:s2], [sflag:$0x1] =	stream.linear.gather [hbm4b:s3+s2], $0x2800, $0x38;
	[tilespmem:$0x5300] =	vst v63  }
0xd: {  	[tilespmem:$0x2800] =	vst v0  }
0xe: {  	[tilespmem:$0x2810] =	vst v0  }
0xf: {  	[tilespmem:$0x2820] =	vst v0  }
.Ltmp0:
0x10: {  	[tilespmem:$0x2830] =	vst v0;
	(pc) =	sbr.rel @p0 .LBB2_5-.Ltmp0, $4  }
0x11: {  	[tilespmem:$0x2840] =	vst v0  }
0x12: {  	[tilespmem:$0x2850] =	vst v0  }
0x13: {  	[tilespmem:$0x2860] =	vst v0  }
0x14: {  	[tilespmem:$0x2870] =	vst v0  }
0x15: {  	s13 =	simm.s32 $0x40;
	s14 =	simm.s32 $0x0  }
.LBB2_3:
0x16: {  	p1 =	sne.s32 s13, $0x9E00;
	[tilespmem:s14+$0x2880] =	vst v1;
	s14 =	smov.u32 s13;
	s13 =	sadd.s32 $0x40, s13  }
.Ltmp1:
0x17: {  	(pc) =	sbr.rel @p1 .LBB2_3-.Ltmp1, $2  }
0x18: {  	_ =	sdelay $0x2  }
0x19: {  	s14 =	sshra.s32 s14, $0x2  }
0x1a: {  	[tilespmem:s14+$0x2880] =	vst v1  }
0x1b: {  	[spmem:s1] =	stream.linear.scatter [tilespmem:s6], [sflag:$0x2], $0x2800, $0x38;
	[tilespmem:$0x5300] =	vst v63  }
0x1c: {  	_ =	swait.ge [sflag:s7], $0x2800  }
0x1d: {  	[sflag:s7] =	ssyncset.done $0x0  }
0x1e: {  	[sflag:s7] =	ssyncadd.s32 $0xFFFFD800  }
.LBB2_5:
0x1f: {  	_ =	swait.ge [sflag:s8], $0x2800  }
0x20: {  	[sflag:s8] =	ssyncset.done $0x0  }
0x21: {  	[sflag:s8] =	ssyncadd.s32 $0xFFFFD800  }
0x22: {  	s13 =	simm.s32 $0x0;
	[bflag:$0x0] =	sbarrier.arrive $0xFFFF  }
0x23: {  	[spmem:s1] =	stream.indirect.scatter.add.f32 [tilespmem:s10], [sflag:$0x2], $0x1, s13, s9, $0xb8;
	[tilespmem:$0x5300] =	vst v63  }
0x24: {  	_ =	swait.ge [sflag:s7], $0x80  }
0x25: {  	s13 =	simm.s32 $0x200;
	[sflag:s7] =	ssyncset.done $0x0  }
.LBB2_6:
0x26: {  	s14 =	sshra.s32 s13, $0x2;
	[sflag:s7] =	ssyncadd.s32 $0xFFFFFF80;
	p1 =	sne.s32 s13, $0x9E00  }
0x27: {  	[spmem:s1] =	stream.indirect.scatter.add.f32 [tilespmem:s10], [sflag:$0x2], $0x1, s14, s9, $0xb8;
	[tilespmem:$0x5300] =	vst v63  }
.Ltmp2:
0x28: {  	_ = 	snop;
	(pc) =	sbr.rel @p1 .LBB2_6-.Ltmp2, $4  }
0x29: {  	_ = 	snop  }
0x2a: {  	s13 =	sadd.s32 $0x200, s13  }
0x2b: {  	_ =	swait.ge [sflag:s7], $0x80  }
0x2c: {  	[sflag:s7] =	ssyncset.done $0x0  }
0x2d: {  	[sflag:s7] =	ssyncadd.s32 $0xFFFFFF80;
	s12 =	sadd.s32 $0x1, s12  }
0x2e: {  	s13 =	simm.s32 @!p0 $0x1C02;
	[bflag:$0x0] =	sbarrier.arrive $0xFFFF;
	p1 =	sne.s32 s12, s5  }
0x2f: {  	[hbm:s4], [sflag:s13] =	dma.local @!p0 [spmem:s11], $0x500  }
.Ltmp3:
0x30: {  	_ = 	snop;
	(pc) =	sbr.rel @p1 .LBB2_1-.Ltmp3, $4  }
0x31: {  	s13 =	simm.s32 @!p0 $0x2  }
0x32: {  	_ =	swait.ge @!p0 [sflag:s13], $0x500  }
0x33: {  	[sflag:s13] =	ssyncset.done @!p0 $0x0  }
0x34: {  	[sflag:s13] =	ssyncadd.s32 @!p0 $0xFFFFFB00  }
0x35: {  	_ =	sfence.sel $0x180000  }
0x36: {  	[bflag:$0x0] =	sbarrier.arrive $0xFFFF  }
0x37: {  	_ =	strace $0x90000047  }
0x38: {  	s0 =	sadd.s32 @!p0 $0x100000, s0;
	[bflag:$0x2] =	sbarrier.arrive $0xFFFF  }
0x39: {  	[sflag:s0] =	ssyncadd.tile.s32 @!p0 $0x1;
	_ =	shalt  }
.Lfunc_end2:
_tile_overlayer_lowered:
.L_overlay_start_2:
0x3a: {  	(tag) =	ssettag $0x2  }
0x3b: {  	s0 =	rddreg [dreg:$0x0];
	s2 =	stileid.u32  }
0x3c: {  	s1 =	rddreg [dreg:$0x1];
	p0 =	sne.s32 s2, $0x0  }
0x3d: {  	s3 =	rddreg [dreg:$0x2];
	[bflag:$0x3] =	sbarrier.arrive $0xFFFF;
	s2 =	simm.s32 @!p0 $0x1C02  }
0x3e: {  	[timem:s3], [sflag:s2] =	dma.local @!p0 [hbm:s0], s1  }
0x3f: {  	s0 =	simm.s32 @!p0 $0x2  }
0x40: {  	_ =	swait.ge @!p0 [sflag:s0], s1  }
0x41: {  	s1 =	ssub.s32 @!p0 $0x0, s1;
	[sflag:s0] =	ssyncset.done @!p0 $0x0  }
0x42: {  	[sflag:s0] =	ssyncadd.s32 @!p0 s1  }
0x43: {  	[bflag:$0x3] =	sbarrier.arrive $0xFFFF  }
0x44: {  	_ =	shalt  }

</sc_bundles>
